<compile_context>
chip_gen: v7x
topology: tpu7x:2x2x1
jax: 0.10.2.dev20260603
libtpu: 0.0.44.dev20260713+nightly
codegen_flags: <defaults>
</compile_context>

<pallas_src>
import functools

import jax
import jax.numpy as jnp
from jax import lax
from jax.experimental import pallas as pl
from jax.experimental.pallas import tpu as pltpu
from jax.experimental.pallas import tpu_sc as plsc

_B = 16384
_D = 32
_NC = 2
_NS = 16
_NW = _NC * _NS
_BPW = _B // _NW
_NBUF = 8


def _scal(ref, pos):
    return ref[pl.ds(pos, 16)][0]


def _sc_body(uidx_hbm, iidx_hbm, utT_hbm, itT_hbm, out_hbm,
             uidx_v, iidx_v, prod_v, bufs_and_sems):
    c = lax.axis_index("c")
    s = lax.axis_index("s")
    wid = s * _NC + c
    base = wid * _BPW

    ubufs = bufs_and_sems[:_NBUF]
    ibufs = bufs_and_sems[_NBUF:2 * _NBUF]
    usems = bufs_and_sems[2 * _NBUF:3 * _NBUF]
    isems = bufs_and_sems[3 * _NBUF:]

    pltpu.sync_copy(uidx_hbm.at[pl.ds(base, _BPW)], uidx_v.at[pl.ds(0, _BPW)])
    pltpu.sync_copy(iidx_hbm.at[pl.ds(base, _BPW)], iidx_v.at[pl.ds(0, _BPW)])

    def issue(n, b):
        tu = (lax.shift_right_logical(_scal(uidx_v, n), 7)) * 128
        ti = (lax.shift_right_logical(_scal(iidx_v, n), 7)) * 128
        pltpu.async_copy(utT_hbm.at[:, pl.ds(pl.multiple_of(tu, 128), 128)],
                         ubufs[b], usems[b])
        pltpu.async_copy(itT_hbm.at[:, pl.ds(pl.multiple_of(ti, 128), 128)],
                         ibufs[b], isems[b])

    rows_lo = lax.iota(jnp.int32, 16)
    rows_hi = rows_lo + 16

    def consume(n, b):
        pltpu.make_async_copy(utT_hbm.at[:, pl.ds(0, 128)], ubufs[b],
                              usems[b]).wait()
        pltpu.make_async_copy(itT_hbm.at[:, pl.ds(0, 128)], ibufs[b],
                              isems[b]).wait()
        lu = _scal(uidx_v, n) & 127
        li = _scal(iidx_v, n) & 127
        cu = jnp.full((16,), lu, dtype=jnp.int32)
        ci = jnp.full((16,), li, dtype=jnp.int32)
        u0 = plsc.load_gather(ubufs[b], [rows_lo, cu])
        u1 = plsc.load_gather(ubufs[b], [rows_hi, cu])
        i0 = plsc.load_gather(ibufs[b], [rows_lo, ci])
        i1 = plsc.load_gather(ibufs[b], [rows_hi, ci])
        prod_v[pl.ds(n * _D, 16)] = u0 * i0
        prod_v[pl.ds(n * _D + 16, 16)] = u1 * i1

    for b in range(_NBUF):
        issue(b, b)

    def ring(i, carry):
        for b in range(_NBUF):
            n = i * _NBUF + b
            consume(n, b)
            issue(n + _NBUF, b)
        return carry

    lax.fori_loop(0, _BPW // _NBUF - 1, ring, 0)
    for b in range(_NBUF):
        consume(_BPW - _NBUF + b, b)

    pltpu.sync_copy(prod_v, out_hbm.at[pl.ds(wid * (_BPW * _D), _BPW * _D)])


def _sc_entry(uidx_hbm, iidx_hbm, utT_hbm, itT_hbm, out_hbm,
              uidx_v, iidx_v, prod_v, *bufs_and_sems):
    _sc_body(uidx_hbm, iidx_hbm, utT_hbm, itT_hbm, out_hbm,
             uidx_v, iidx_v, prod_v, bufs_and_sems)


_sc_gather_prod = pl.kernel(
    _sc_entry,
    out_type=jax.ShapeDtypeStruct((_B * _D,), jnp.float32),
    mesh=plsc.VectorSubcoreMesh(core_axis_name="c", subcore_axis_name="s"),
    scratch_types=(
        [pltpu.VMEM((_BPW + 16,), jnp.int32),
         pltpu.VMEM((_BPW + 16,), jnp.int32),
         pltpu.VMEM((_BPW * _D,), jnp.float32)]
        + [pltpu.VMEM((_D, 128), jnp.float32)] * (2 * _NBUF)
        + [pltpu.SemaphoreType.DMA] * (2 * _NBUF)
    ),
    compiler_params=pltpu.CompilerParams(needs_layout_passes=False),
    name="sc_gather_prod",
)


def _tc_body(p_ref, wt4_ref, bt4_ref, wo4_ref, bo_ref, out_ref):
    h = jnp.dot(p_ref[...], wt4_ref[...], preferred_element_type=jnp.float32)
    h = jnp.maximum(h + bt4_ref[...], 0.0)
    out_ref[...] = jnp.dot(h, wo4_ref[...],
                           preferred_element_type=jnp.float32) + bo_ref[0, 0]


_tc_mlp = pl.pallas_call(
    _tc_body,
    out_shape=jax.ShapeDtypeStruct((_B // 4, 4), jnp.float32),
    name="tc_mlp",
)


def kernel(user_idx, item_idx, user_table, item_table, W_t, b_t, W_o, b_o):
    prod_flat = _sc_gather_prod(user_idx.astype(jnp.int32),
                                item_idx.astype(jnp.int32),
                                user_table.T, item_table.T)
    prod4 = prod_flat.reshape(_B // 4, 4 * _D)
    eye4 = jnp.eye(4, dtype=jnp.float32)
    wt4 = jnp.kron(eye4, W_t)
    wo4 = jnp.kron(eye4, W_o)
    bt4 = jnp.tile(b_t, 4).reshape(1, 4 * _D)
    pred = _tc_mlp(prod4, wt4, bt4, wo4, b_o.reshape(1, 1))
    return pred.reshape(_B)

# --- scband reference (transcript-rebuilt; emitter-appended) ---
"""Pipeline reference for scband-gtn-85813446574102 (READ-ONLY COPY).

The authoritative reference and input builder live on the scoring server;
editing this copy changes nothing except your own understanding.
"""

import jax, jax.numpy as jnp
import numpy as np

NUM_USERS = 1000000
NUM_ITEMS = 1000000
EMBED_DIM = 32
BATCH = 16384

def setup_inputs(seed: int = 0) -> dict:
    key = jax.random.key(seed)
    k1, k2, k3, k4, k5, k6, k7, k8 = jax.random.split(key, 8)
    user_idx = jax.random.randint(k1, (BATCH,), 0, NUM_USERS, dtype=jnp.int64 if jax.config.jax_enable_x64 else jnp.int32)
    item_idx = jax.random.randint(k2, (BATCH,), 0, NUM_ITEMS, dtype=jnp.int64 if jax.config.jax_enable_x64 else jnp.int32)
    user_table = jax.random.normal(k3, (NUM_USERS, EMBED_DIM), dtype=jnp.float32)
    item_table = jax.random.normal(k4, (NUM_ITEMS, EMBED_DIM), dtype=jnp.float32)
    W_t = jax.random.normal(k5, (EMBED_DIM, EMBED_DIM), dtype=jnp.float32) * (1.0 / np.sqrt(EMBED_DIM))
    b_t = jax.random.normal(k6, (EMBED_DIM,), dtype=jnp.float32) * 0.01
    W_o = jax.random.normal(k7, (EMBED_DIM, 1), dtype=jnp.float32) * (1.0 / np.sqrt(EMBED_DIM))
    b_o = jax.random.normal(k8, (1,), dtype=jnp.float32) * 0.01
    return {"user_idx": user_idx, "item_idx": item_idx, "user_table": user_table, "item_table": item_table, "W_t": W_t, "b_t": b_t, "W_o": W_o, "b_o": b_o}

def reference(user_idx, item_idx, user_table, item_table, W_t, b_t, W_o, b_o):
    user_emb = jnp.take(user_table, user_idx, axis=0)
    item_emb = jnp.take(item_table, item_idx, axis=0)
    transformed = jax.nn.relu((user_emb * item_emb) @ W_t + b_t)
    prediction = jnp.squeeze(transformed @ W_o + b_o, axis=-1)
    return prediction

if __name__ == "__main__":
    import jax
    _d = setup_inputs()
    print(jax.jit(kernel)(*tuple(_d.values())))

</pallas_src>

<mosaic_0001>
#map = affine_map<(d0, d1) -> (0)>
#map1 = affine_map<(d0, d1) -> (0, 0)>
module attributes {stable_mosaic.version = 14 : i64} {
  func.func @sc_gather_prod(%arg0: i32, %arg1: i32, %arg2: memref<16384xi32, #tpu.memory_space<hbm>>, %arg3: memref<16384xi32, #tpu.memory_space<hbm>>, %arg4: memref<32x1000000xf32, #tpu.memory_space<hbm>>, %arg5: memref<32x1000000xf32, #tpu.memory_space<hbm>>, %arg6: memref<524288xf32, #tpu.memory_space<hbm>>, %arg7: memref<528xi32, #tpu.memory_space<vmem>>, %arg8: memref<528xi32, #tpu.memory_space<vmem>>, %arg9: memref<16384xf32, #tpu.memory_space<vmem>>, %arg10: memref<32x128xf32, #tpu.memory_space<vmem>>, %arg11: memref<32x128xf32, #tpu.memory_space<vmem>>, %arg12: memref<32x128xf32, #tpu.memory_space<vmem>>, %arg13: memref<32x128xf32, #tpu.memory_space<vmem>>, %arg14: memref<32x128xf32, #tpu.memory_space<vmem>>, %arg15: memref<32x128xf32, #tpu.memory_space<vmem>>, %arg16: memref<32x128xf32, #tpu.memory_space<vmem>>, %arg17: memref<32x128xf32, #tpu.memory_space<vmem>>, %arg18: memref<32x128xf32, #tpu.memory_space<vmem>>, %arg19: memref<32x128xf32, #tpu.memory_space<vmem>>, %arg20: memref<32x128xf32, #tpu.memory_space<vmem>>, %arg21: memref<32x128xf32, #tpu.memory_space<vmem>>, %arg22: memref<32x128xf32, #tpu.memory_space<vmem>>, %arg23: memref<32x128xf32, #tpu.memory_space<vmem>>, %arg24: memref<32x128xf32, #tpu.memory_space<vmem>>, %arg25: memref<32x128xf32, #tpu.memory_space<vmem>>, %arg26: memref<!tpu.dma_semaphore, #tpu.memory_space<semaphore_mem>>, %arg27: memref<!tpu.dma_semaphore, #tpu.memory_space<semaphore_mem>>, %arg28: memref<!tpu.dma_semaphore, #tpu.memory_space<semaphore_mem>>, %arg29: memref<!tpu.dma_semaphore, #tpu.memory_space<semaphore_mem>>, %arg30: memref<!tpu.dma_semaphore, #tpu.memory_space<semaphore_mem>>, %arg31: memref<!tpu.dma_semaphore, #tpu.memory_space<semaphore_mem>>, %arg32: memref<!tpu.dma_semaphore, #tpu.memory_space<semaphore_mem>>, %arg33: memref<!tpu.dma_semaphore, #tpu.memory_space<semaphore_mem>>, %arg34: memref<!tpu.dma_semaphore, #tpu.memory_space<semaphore_mem>>, %arg35: memref<!tpu.dma_semaphore, #tpu.memory_space<semaphore_mem>>, %arg36: memref<!tpu.dma_semaphore, #tpu.memory_space<semaphore_mem>>, %arg37: memref<!tpu.dma_semaphore, #tpu.memory_space<semaphore_mem>>, %arg38: memref<!tpu.dma_semaphore, #tpu.memory_space<semaphore_mem>>, %arg39: memref<!tpu.dma_semaphore, #tpu.memory_space<semaphore_mem>>, %arg40: memref<!tpu.dma_semaphore, #tpu.memory_space<semaphore_mem>>, %arg41: memref<!tpu.dma_semaphore, #tpu.memory_space<semaphore_mem>>) attributes {dimension_semantics = [#tpu.dimension_semantics<core_parallel>, #tpu.dimension_semantics<subcore_parallel>], iteration_bounds = array<i64: 2, 16>, scalar_prefetch = 0 : i64, scratch_operands = 35 : i64, tpu.core_type = #tpu.core_type<sc_vector_subcore>, window_params = [{transform_indices = #map}, {transform_indices = #map}, {transform_indices = #map1}, {transform_indices = #map1}, {transform_indices = #map}]} {
    %mul3A = arith.constant 2 : i32
    %mul3A_0 = arith.muli %arg1, %mul3A : i32
    %add3A = arith.addi %mul3A_0, %arg0 : i32
    %mul3A_1 = arith.constant 512 : i32
    %mul3A_2 = arith.muli %add3A, %mul3A_1 : i32
    "tpu.region"() ({
      %run_scoped3A = tpu.sem_alloc : memref<!tpu.dma_semaphore, #tpu.memory_space<semaphore_mem>>
      %dma_start3A_498 = arith.constant 0 : i32
      %dma_start3A_499 = tpu.memref_slice %arg7[%dma_start3A_498] : memref<528xi32, #tpu.memory_space<vmem>> -> memref<512xi32, #tpu.memory_space<vmem>>
      %dma_start3A_500 = tpu.memref_slice %arg2[%mul3A_2] : memref<16384xi32, #tpu.memory_space<hbm>> -> memref<512xi32, #tpu.memory_space<hbm>>
      %dma_start3A_501 = arith.constant 0 : i32
      %dma_start3A_502 = tpu.memref_slice %arg7[%dma_start3A_501] : memref<528xi32, #tpu.memory_space<vmem>> -> memref<512xi32, #tpu.memory_space<vmem>>
      %dma_start3A_503 = tpu.memref_slice %arg2[%mul3A_2] : memref<16384xi32, #tpu.memory_space<hbm>> -> memref<512xi32, #tpu.memory_space<hbm>>
      tpu.enqueue_dma source(%dma_start3A_503 : memref<512xi32, #tpu.memory_space<hbm>>) target(%dma_start3A_502 : memref<512xi32, #tpu.memory_space<vmem>>) target_semaphore(%run_scoped3A : memref<!tpu.dma_semaphore, #tpu.memory_space<semaphore_mem>>)
      %dma_wait3A_504 = arith.constant 0 : i32
      %dma_wait3A_505 = tpu.memref_slice %arg7[%dma_wait3A_504] : memref<528xi32, #tpu.memory_space<vmem>> -> memref<512xi32, #tpu.memory_space<vmem>>
      %dma_wait3A_506 = tpu.memref_slice %arg2[%mul3A_2] : memref<16384xi32, #tpu.memory_space<hbm>> -> memref<512xi32, #tpu.memory_space<hbm>>
      %dma_wait3A_507 = arith.constant 0 : i32
      %dma_wait3A_508 = tpu.memref_slice %arg7[%dma_wait3A_507] : memref<528xi32, #tpu.memory_space<vmem>> -> memref<512xi32, #tpu.memory_space<vmem>>
      %dma_wait3A_509 = tpu.memref_slice %arg2[%mul3A_2] : memref<16384xi32, #tpu.memory_space<hbm>> -> memref<512xi32, #tpu.memory_space<hbm>>
      tpu.wait_dma2 semaphore(%run_scoped3A : memref<!tpu.dma_semaphore, #tpu.memory_space<semaphore_mem>>) src(%dma_wait3A_509 : memref<512xi32, #tpu.memory_space<hbm>>) dst(%dma_wait3A_508 : memref<512xi32, #tpu.memory_space<vmem>>)
      tpu.yield
    }) : () -> ()
    "tpu.region"() ({
      %run_scoped3A = tpu.sem_alloc : memref<!tpu.dma_semaphore, #tpu.memory_space<semaphore_mem>>
      %dma_start3A_498 = arith.constant 0 : i32
      %dma_start3A_499 = tpu.memref_slice %arg8[%dma_start3A_498] : memref<528xi32, #tpu.memory_space<vmem>> -> memref<512xi32, #tpu.memory_space<vmem>>
      %dma_start3A_500 = tpu.memref_slice %arg3[%mul3A_2] : memref<16384xi32, #tpu.memory_space<hbm>> -> memref<512xi32, #tpu.memory_space<hbm>>
      %dma_start3A_501 = arith.constant 0 : i32
      %dma_start3A_502 = tpu.memref_slice %arg8[%dma_start3A_501] : memref<528xi32, #tpu.memory_space<vmem>> -> memref<512xi32, #tpu.memory_space<vmem>>
      %dma_start3A_503 = tpu.memref_slice %arg3[%mul3A_2] : memref<16384xi32, #tpu.memory_space<hbm>> -> memref<512xi32, #tpu.memory_space<hbm>>
      tpu.enqueue_dma source(%dma_start3A_503 : memref<512xi32, #tpu.memory_space<hbm>>) target(%dma_start3A_502 : memref<512xi32, #tpu.memory_space<vmem>>) target_semaphore(%run_scoped3A : memref<!tpu.dma_semaphore, #tpu.memory_space<semaphore_mem>>)
      %dma_wait3A_504 = arith.constant 0 : i32
      %dma_wait3A_505 = tpu.memref_slice %arg8[%dma_wait3A_504] : memref<528xi32, #tpu.memory_space<vmem>> -> memref<512xi32, #tpu.memory_space<vmem>>
      %dma_wait3A_506 = tpu.memref_slice %arg3[%mul3A_2] : memref<16384xi32, #tpu.memory_space<hbm>> -> memref<512xi32, #tpu.memory_space<hbm>>
      %dma_wait3A_507 = arith.constant 0 : i32
      %dma_wait3A_508 = tpu.memref_slice %arg8[%dma_wait3A_507] : memref<528xi32, #tpu.memory_space<vmem>> -> memref<512xi32, #tpu.memory_space<vmem>>
      %dma_wait3A_509 = tpu.memref_slice %arg3[%mul3A_2] : memref<16384xi32, #tpu.memory_space<hbm>> -> memref<512xi32, #tpu.memory_space<hbm>>
      tpu.wait_dma2 semaphore(%run_scoped3A : memref<!tpu.dma_semaphore, #tpu.memory_space<semaphore_mem>>) src(%dma_wait3A_509 : memref<512xi32, #tpu.memory_space<hbm>>) dst(%dma_wait3A_508 : memref<512xi32, #tpu.memory_space<vmem>>)
      tpu.yield
    }) : () -> ()
    %iota3A = tpu.iota {dimensions = array<i32: 0>} : vector<16xi32>
    %add3A_3 = arith.constant 16 : i32
    %add3A_4 = vector.broadcast %add3A_3 : i32 to vector<16xi32>
    %add3A_5 = arith.addi %iota3A, %add3A_4 : vector<16xi32>
    %get3A = arith.constant 0 : index
    %get3A_6 = tpu.vector_load %arg7[%get3A] {strides = array<i32>} : memref<528xi32, #tpu.memory_space<vmem>>, vector<16xi32>,
    %slice3A = vector.extract_strided_slice %get3A_6 {offsets = [0], sizes = [1], strides = [1]} : vector<16xi32> to vector<1xi32>
    %squeeze3A = vector.extract %slice3A[0] : i32 from vector<1xi32>
    %shift_right_logical3A = arith.constant 7 : i32
    %shift_right_logical3A_7 = arith.shrui %squeeze3A, %shift_right_logical3A : i32
    %mul3A_8 = arith.constant 128 : i32
    %mul3A_9 = arith.muli %shift_right_logical3A_7, %mul3A_8 : i32
    %get3A_10 = arith.constant 0 : index
    %get3A_11 = tpu.vector_load %arg8[%get3A_10] {strides = array<i32>} : memref<528xi32, #tpu.memory_space<vmem>>, vector<16xi32>,
    %slice3A_12 = vector.extract_strided_slice %get3A_11 {offsets = [0], sizes = [1], strides = [1]} : vector<16xi32> to vector<1xi32>
    %squeeze3A_13 = vector.extract %slice3A_12[0] : i32 from vector<1xi32>
    %shift_right_logical3A_14 = arith.constant 7 : i32
    %shift_right_logical3A_15 = arith.shrui %squeeze3A_13, %shift_right_logical3A_14 : i32
    %mul3A_16 = arith.constant 128 : i32
    %mul3A_17 = arith.muli %shift_right_logical3A_15, %mul3A_16 : i32
    %multiple_of3A = tpu.assume_multiple %mul3A_9, 128 : i32
    %dma_start3A = arith.constant 0 : i32
    %dma_start3A_18 = tpu.memref_slice %arg4[%dma_start3A, %multiple_of3A] : memref<32x1000000xf32, #tpu.memory_space<hbm>> -> memref<32x128xf32, #tpu.memory_space<hbm>>
    %dma_start3A_19 = arith.constant 0 : i32
    %dma_start3A_20 = tpu.memref_slice %arg4[%dma_start3A_19, %multiple_of3A] : memref<32x1000000xf32, #tpu.memory_space<hbm>> -> memref<32x128xf32, #tpu.memory_space<hbm>>
    tpu.enqueue_dma source(%dma_start3A_20 : memref<32x128xf32, #tpu.memory_space<hbm>>) target(%arg10 : memref<32x128xf32, #tpu.memory_space<vmem>>) target_semaphore(%arg26 : memref<!tpu.dma_semaphore, #tpu.memory_space<semaphore_mem>>)
    %multiple_of3A_21 = tpu.assume_multiple %mul3A_17, 128 : i32
    %dma_start3A_22 = arith.constant 0 : i32
    %dma_start3A_23 = tpu.memref_slice %arg5[%dma_start3A_22, %multiple_of3A_21] : memref<32x1000000xf32, #tpu.memory_space<hbm>> -> memref<32x128xf32, #tpu.memory_space<hbm>>
    %dma_start3A_24 = arith.constant 0 : i32
    %dma_start3A_25 = tpu.memref_slice %arg5[%dma_start3A_24, %multiple_of3A_21] : memref<32x1000000xf32, #tpu.memory_space<hbm>> -> memref<32x128xf32, #tpu.memory_space<hbm>>
    tpu.enqueue_dma source(%dma_start3A_25 : memref<32x128xf32, #tpu.memory_space<hbm>>) target(%arg18 : memref<32x128xf32, #tpu.memory_space<vmem>>) target_semaphore(%arg34 : memref<!tpu.dma_semaphore, #tpu.memory_space<semaphore_mem>>)
    %get3A_26 = arith.constant 1 : index
    %get3A_27 = tpu.vector_load %arg7[%get3A_26] {strides = array<i32>} : memref<528xi32, #tpu.memory_space<vmem>>, vector<16xi32>,
    %slice3A_28 = vector.extract_strided_slice %get3A_27 {offsets = [0], sizes = [1], strides = [1]} : vector<16xi32> to vector<1xi32>
    %squeeze3A_29 = vector.extract %slice3A_28[0] : i32 from vector<1xi32>
    %shift_right_logical3A_30 = arith.constant 7 : i32
    %shift_right_logical3A_31 = arith.shrui %squeeze3A_29, %shift_right_logical3A_30 : i32
    %mul3A_32 = arith.constant 128 : i32
    %mul3A_33 = arith.muli %shift_right_logical3A_31, %mul3A_32 : i32
    %get3A_34 = arith.constant 1 : index
    %get3A_35 = tpu.vector_load %arg8[%get3A_34] {strides = array<i32>} : memref<528xi32, #tpu.memory_space<vmem>>, vector<16xi32>,
    %slice3A_36 = vector.extract_strided_slice %get3A_35 {offsets = [0], sizes = [1], strides = [1]} : vector<16xi32> to vector<1xi32>
    %squeeze3A_37 = vector.extract %slice3A_36[0] : i32 from vector<1xi32>
    %shift_right_logical3A_38 = arith.constant 7 : i32
    %shift_right_logical3A_39 = arith.shrui %squeeze3A_37, %shift_right_logical3A_38 : i32
    %mul3A_40 = arith.constant 128 : i32
    %mul3A_41 = arith.muli %shift_right_logical3A_39, %mul3A_40 : i32
    %multiple_of3A_42 = tpu.assume_multiple %mul3A_33, 128 : i32
    %dma_start3A_43 = arith.constant 0 : i32
    %dma_start3A_44 = tpu.memref_slice %arg4[%dma_start3A_43, %multiple_of3A_42] : memref<32x1000000xf32, #tpu.memory_space<hbm>> -> memref<32x128xf32, #tpu.memory_space<hbm>>
    %dma_start3A_45 = arith.constant 0 : i32
    %dma_start3A_46 = tpu.memref_slice %arg4[%dma_start3A_45, %multiple_of3A_42] : memref<32x1000000xf32, #tpu.memory_space<hbm>> -> memref<32x128xf32, #tpu.memory_space<hbm>>
    tpu.enqueue_dma source(%dma_start3A_46 : memref<32x128xf32, #tpu.memory_space<hbm>>) target(%arg11 : memref<32x128xf32, #tpu.memory_space<vmem>>) target_semaphore(%arg27 : memref<!tpu.dma_semaphore, #tpu.memory_space<semaphore_mem>>)
    %multiple_of3A_47 = tpu.assume_multiple %mul3A_41, 128 : i32
    %dma_start3A_48 = arith.constant 0 : i32
    %dma_start3A_49 = tpu.memref_slice %arg5[%dma_start3A_48, %multiple_of3A_47] : memref<32x1000000xf32, #tpu.memory_space<hbm>> -> memref<32x128xf32, #tpu.memory_space<hbm>>
    %dma_start3A_50 = arith.constant 0 : i32
    %dma_start3A_51 = tpu.memref_slice %arg5[%dma_start3A_50, %multiple_of3A_47] : memref<32x1000000xf32, #tpu.memory_space<hbm>> -> memref<32x128xf32, #tpu.memory_space<hbm>>
    tpu.enqueue_dma source(%dma_start3A_51 : memref<32x128xf32, #tpu.memory_space<hbm>>) target(%arg19 : memref<32x128xf32, #tpu.memory_space<vmem>>) target_semaphore(%arg35 : memref<!tpu.dma_semaphore, #tpu.memory_space<semaphore_mem>>)
    %get3A_52 = arith.constant 2 : index
    %get3A_53 = tpu.vector_load %arg7[%get3A_52] {strides = array<i32>} : memref<528xi32, #tpu.memory_space<vmem>>, vector<16xi32>,
    %slice3A_54 = vector.extract_strided_slice %get3A_53 {offsets = [0], sizes = [1], strides = [1]} : vector<16xi32> to vector<1xi32>
    %squeeze3A_55 = vector.extract %slice3A_54[0] : i32 from vector<1xi32>
    %shift_right_logical3A_56 = arith.constant 7 : i32
    %shift_right_logical3A_57 = arith.shrui %squeeze3A_55, %shift_right_logical3A_56 : i32
    %mul3A_58 = arith.constant 128 : i32
    %mul3A_59 = arith.muli %shift_right_logical3A_57, %mul3A_58 : i32
    %get3A_60 = arith.constant 2 : index
    %get3A_61 = tpu.vector_load %arg8[%get3A_60] {strides = array<i32>} : memref<528xi32, #tpu.memory_space<vmem>>, vector<16xi32>,
    %slice3A_62 = vector.extract_strided_slice %get3A_61 {offsets = [0], sizes = [1], strides = [1]} : vector<16xi32> to vector<1xi32>
    %squeeze3A_63 = vector.extract %slice3A_62[0] : i32 from vector<1xi32>
    %shift_right_logical3A_64 = arith.constant 7 : i32
    %shift_right_logical3A_65 = arith.shrui %squeeze3A_63, %shift_right_logical3A_64 : i32
    %mul3A_66 = arith.constant 128 : i32
    %mul3A_67 = arith.muli %shift_right_logical3A_65, %mul3A_66 : i32
    %multiple_of3A_68 = tpu.assume_multiple %mul3A_59, 128 : i32
    %dma_start3A_69 = arith.constant 0 : i32
    %dma_start3A_70 = tpu.memref_slice %arg4[%dma_start3A_69, %multiple_of3A_68] : memref<32x1000000xf32, #tpu.memory_space<hbm>> -> memref<32x128xf32, #tpu.memory_space<hbm>>
    %dma_start3A_71 = arith.constant 0 : i32
    %dma_start3A_72 = tpu.memref_slice %arg4[%dma_start3A_71, %multiple_of3A_68] : memref<32x1000000xf32, #tpu.memory_space<hbm>> -> memref<32x128xf32, #tpu.memory_space<hbm>>
    tpu.enqueue_dma source(%dma_start3A_72 : memref<32x128xf32, #tpu.memory_space<hbm>>) target(%arg12 : memref<32x128xf32, #tpu.memory_space<vmem>>) target_semaphore(%arg28 : memref<!tpu.dma_semaphore, #tpu.memory_space<semaphore_mem>>)
    %multiple_of3A_73 = tpu.assume_multiple %mul3A_67, 128 : i32
    %dma_start3A_74 = arith.constant 0 : i32
    %dma_start3A_75 = tpu.memref_slice %arg5[%dma_start3A_74, %multiple_of3A_73] : memref<32x1000000xf32, #tpu.memory_space<hbm>> -> memref<32x128xf32, #tpu.memory_space<hbm>>
    %dma_start3A_76 = arith.constant 0 : i32
    %dma_start3A_77 = tpu.memref_slice %arg5[%dma_start3A_76, %multiple_of3A_73] : memref<32x1000000xf32, #tpu.memory_space<hbm>> -> memref<32x128xf32, #tpu.memory_space<hbm>>
    tpu.enqueue_dma source(%dma_start3A_77 : memref<32x128xf32, #tpu.memory_space<hbm>>) target(%arg20 : memref<32x128xf32, #tpu.memory_space<vmem>>) target_semaphore(%arg36 : memref<!tpu.dma_semaphore, #tpu.memory_space<semaphore_mem>>)
    %get3A_78 = arith.constant 3 : index
    %get3A_79 = tpu.vector_load %arg7[%get3A_78] {strides = array<i32>} : memref<528xi32, #tpu.memory_space<vmem>>, vector<16xi32>,
    %slice3A_80 = vector.extract_strided_slice %get3A_79 {offsets = [0], sizes = [1], strides = [1]} : vector<16xi32> to vector<1xi32>
    %squeeze3A_81 = vector.extract %slice3A_80[0] : i32 from vector<1xi32>
    %shift_right_logical3A_82 = arith.constant 7 : i32
    %shift_right_logical3A_83 = arith.shrui %squeeze3A_81, %shift_right_logical3A_82 : i32
    %mul3A_84 = arith.constant 128 : i32
    %mul3A_85 = arith.muli %shift_right_logical3A_83, %mul3A_84 : i32
    %get3A_86 = arith.constant 3 : index
    %get3A_87 = tpu.vector_load %arg8[%get3A_86] {strides = array<i32>} : memref<528xi32, #tpu.memory_space<vmem>>, vector<16xi32>,
    %slice3A_88 = vector.extract_strided_slice %get3A_87 {offsets = [0], sizes = [1], strides = [1]} : vector<16xi32> to vector<1xi32>
    %squeeze3A_89 = vector.extract %slice3A_88[0] : i32 from vector<1xi32>
    %shift_right_logical3A_90 = arith.constant 7 : i32
    %shift_right_logical3A_91 = arith.shrui %squeeze3A_89, %shift_right_logical3A_90 : i32
    %mul3A_92 = arith.constant 128 : i32
    %mul3A_93 = arith.muli %shift_right_logical3A_91, %mul3A_92 : i32
    %multiple_of3A_94 = tpu.assume_multiple %mul3A_85, 128 : i32
    %dma_start3A_95 = arith.constant 0 : i32
    %dma_start3A_96 = tpu.memref_slice %arg4[%dma_start3A_95, %multiple_of3A_94] : memref<32x1000000xf32, #tpu.memory_space<hbm>> -> memref<32x128xf32, #tpu.memory_space<hbm>>
    %dma_start3A_97 = arith.constant 0 : i32
    %dma_start3A_98 = tpu.memref_slice %arg4[%dma_start3A_97, %multiple_of3A_94] : memref<32x1000000xf32, #tpu.memory_space<hbm>> -> memref<32x128xf32, #tpu.memory_space<hbm>>
    tpu.enqueue_dma source(%dma_start3A_98 : memref<32x128xf32, #tpu.memory_space<hbm>>) target(%arg13 : memref<32x128xf32, #tpu.memory_space<vmem>>) target_semaphore(%arg29 : memref<!tpu.dma_semaphore, #tpu.memory_space<semaphore_mem>>)
    %multiple_of3A_99 = tpu.assume_multiple %mul3A_93, 128 : i32
    %dma_start3A_100 = arith.constant 0 : i32
    %dma_start3A_101 = tpu.memref_slice %arg5[%dma_start3A_100, %multiple_of3A_99] : memref<32x1000000xf32, #tpu.memory_space<hbm>> -> memref<32x128xf32, #tpu.memory_space<hbm>>
    %dma_start3A_102 = arith.constant 0 : i32
    %dma_start3A_103 = tpu.memref_slice %arg5[%dma_start3A_102, %multiple_of3A_99] : memref<32x1000000xf32, #tpu.memory_space<hbm>> -> memref<32x128xf32, #tpu.memory_space<hbm>>
    tpu.enqueue_dma source(%dma_start3A_103 : memref<32x128xf32, #tpu.memory_space<hbm>>) target(%arg21 : memref<32x128xf32, #tpu.memory_space<vmem>>) target_semaphore(%arg37 : memref<!tpu.dma_semaphore, #tpu.memory_space<semaphore_mem>>)
    %get3A_104 = arith.constant 4 : index
    %get3A_105 = tpu.vector_load %arg7[%get3A_104] {strides = array<i32>} : memref<528xi32, #tpu.memory_space<vmem>>, vector<16xi32>,
    %slice3A_106 = vector.extract_strided_slice %get3A_105 {offsets = [0], sizes = [1], strides = [1]} : vector<16xi32> to vector<1xi32>
    %squeeze3A_107 = vector.extract %slice3A_106[0] : i32 from vector<1xi32>
    %shift_right_logical3A_108 = arith.constant 7 : i32
    %shift_right_logical3A_109 = arith.shrui %squeeze3A_107, %shift_right_logical3A_108 : i32
    %mul3A_110 = arith.constant 128 : i32
    %mul3A_111 = arith.muli %shift_right_logical3A_109, %mul3A_110 : i32
    %get3A_112 = arith.constant 4 : index
    %get3A_113 = tpu.vector_load %arg8[%get3A_112] {strides = array<i32>} : memref<528xi32, #tpu.memory_space<vmem>>, vector<16xi32>,
    %slice3A_114 = vector.extract_strided_slice %get3A_113 {offsets = [0], sizes = [1], strides = [1]} : vector<16xi32> to vector<1xi32>
    %squeeze3A_115 = vector.extract %slice3A_114[0] : i32 from vector<1xi32>
    %shift_right_logical3A_116 = arith.constant 7 : i32
    %shift_right_logical3A_117 = arith.shrui %squeeze3A_115, %shift_right_logical3A_116 : i32
    %mul3A_118 = arith.constant 128 : i32
    %mul3A_119 = arith.muli %shift_right_logical3A_117, %mul3A_118 : i32
    %multiple_of3A_120 = tpu.assume_multiple %mul3A_111, 128 : i32
    %dma_start3A_121 = arith.constant 0 : i32
    %dma_start3A_122 = tpu.memref_slice %arg4[%dma_start3A_121, %multiple_of3A_120] : memref<32x1000000xf32, #tpu.memory_space<hbm>> -> memref<32x128xf32, #tpu.memory_space<hbm>>
    %dma_start3A_123 = arith.constant 0 : i32
    %dma_start3A_124 = tpu.memref_slice %arg4[%dma_start3A_123, %multiple_of3A_120] : memref<32x1000000xf32, #tpu.memory_space<hbm>> -> memref<32x128xf32, #tpu.memory_space<hbm>>
    tpu.enqueue_dma source(%dma_start3A_124 : memref<32x128xf32, #tpu.memory_space<hbm>>) target(%arg14 : memref<32x128xf32, #tpu.memory_space<vmem>>) target_semaphore(%arg30 : memref<!tpu.dma_semaphore, #tpu.memory_space<semaphore_mem>>)
    %multiple_of3A_125 = tpu.assume_multiple %mul3A_119, 128 : i32
    %dma_start3A_126 = arith.constant 0 : i32
    %dma_start3A_127 = tpu.memref_slice %arg5[%dma_start3A_126, %multiple_of3A_125] : memref<32x1000000xf32, #tpu.memory_space<hbm>> -> memref<32x128xf32, #tpu.memory_space<hbm>>
    %dma_start3A_128 = arith.constant 0 : i32
    %dma_start3A_129 = tpu.memref_slice %arg5[%dma_start3A_128, %multiple_of3A_125] : memref<32x1000000xf32, #tpu.memory_space<hbm>> -> memref<32x128xf32, #tpu.memory_space<hbm>>
    tpu.enqueue_dma source(%dma_start3A_129 : memref<32x128xf32, #tpu.memory_space<hbm>>) target(%arg22 : memref<32x128xf32, #tpu.memory_space<vmem>>) target_semaphore(%arg38 : memref<!tpu.dma_semaphore, #tpu.memory_space<semaphore_mem>>)
    %get3A_130 = arith.constant 5 : index
    %get3A_131 = tpu.vector_load %arg7[%get3A_130] {strides = array<i32>} : memref<528xi32, #tpu.memory_space<vmem>>, vector<16xi32>,
    %slice3A_132 = vector.extract_strided_slice %get3A_131 {offsets = [0], sizes = [1], strides = [1]} : vector<16xi32> to vector<1xi32>
    %squeeze3A_133 = vector.extract %slice3A_132[0] : i32 from vector<1xi32>
    %shift_right_logical3A_134 = arith.constant 7 : i32
    %shift_right_logical3A_135 = arith.shrui %squeeze3A_133, %shift_right_logical3A_134 : i32
    %mul3A_136 = arith.constant 128 : i32
    %mul3A_137 = arith.muli %shift_right_logical3A_135, %mul3A_136 : i32
    %get3A_138 = arith.constant 5 : index
    %get3A_139 = tpu.vector_load %arg8[%get3A_138] {strides = array<i32>} : memref<528xi32, #tpu.memory_space<vmem>>, vector<16xi32>,
    %slice3A_140 = vector.extract_strided_slice %get3A_139 {offsets = [0], sizes = [1], strides = [1]} : vector<16xi32> to vector<1xi32>
    %squeeze3A_141 = vector.extract %slice3A_140[0] : i32 from vector<1xi32>
    %shift_right_logical3A_142 = arith.constant 7 : i32
    %shift_right_logical3A_143 = arith.shrui %squeeze3A_141, %shift_right_logical3A_142 : i32
    %mul3A_144 = arith.constant 128 : i32
    %mul3A_145 = arith.muli %shift_right_logical3A_143, %mul3A_144 : i32
    %multiple_of3A_146 = tpu.assume_multiple %mul3A_137, 128 : i32
    %dma_start3A_147 = arith.constant 0 : i32
    %dma_start3A_148 = tpu.memref_slice %arg4[%dma_start3A_147, %multiple_of3A_146] : memref<32x1000000xf32, #tpu.memory_space<hbm>> -> memref<32x128xf32, #tpu.memory_space<hbm>>
    %dma_start3A_149 = arith.constant 0 : i32
    %dma_start3A_150 = tpu.memref_slice %arg4[%dma_start3A_149, %multiple_of3A_146] : memref<32x1000000xf32, #tpu.memory_space<hbm>> -> memref<32x128xf32, #tpu.memory_space<hbm>>
    tpu.enqueue_dma source(%dma_start3A_150 : memref<32x128xf32, #tpu.memory_space<hbm>>) target(%arg15 : memref<32x128xf32, #tpu.memory_space<vmem>>) target_semaphore(%arg31 : memref<!tpu.dma_semaphore, #tpu.memory_space<semaphore_mem>>)
    %multiple_of3A_151 = tpu.assume_multiple %mul3A_145, 128 : i32
    %dma_start3A_152 = arith.constant 0 : i32
    %dma_start3A_153 = tpu.memref_slice %arg5[%dma_start3A_152, %multiple_of3A_151] : memref<32x1000000xf32, #tpu.memory_space<hbm>> -> memref<32x128xf32, #tpu.memory_space<hbm>>
    %dma_start3A_154 = arith.constant 0 : i32
    %dma_start3A_155 = tpu.memref_slice %arg5[%dma_start3A_154, %multiple_of3A_151] : memref<32x1000000xf32, #tpu.memory_space<hbm>> -> memref<32x128xf32, #tpu.memory_space<hbm>>
    tpu.enqueue_dma source(%dma_start3A_155 : memref<32x128xf32, #tpu.memory_space<hbm>>) target(%arg23 : memref<32x128xf32, #tpu.memory_space<vmem>>) target_semaphore(%arg39 : memref<!tpu.dma_semaphore, #tpu.memory_space<semaphore_mem>>)
    %get3A_156 = arith.constant 6 : index
    %get3A_157 = tpu.vector_load %arg7[%get3A_156] {strides = array<i32>} : memref<528xi32, #tpu.memory_space<vmem>>, vector<16xi32>,
    %slice3A_158 = vector.extract_strided_slice %get3A_157 {offsets = [0], sizes = [1], strides = [1]} : vector<16xi32> to vector<1xi32>
    %squeeze3A_159 = vector.extract %slice3A_158[0] : i32 from vector<1xi32>
    %shift_right_logical3A_160 = arith.constant 7 : i32
    %shift_right_logical3A_161 = arith.shrui %squeeze3A_159, %shift_right_logical3A_160 : i32
    %mul3A_162 = arith.constant 128 : i32
    %mul3A_163 = arith.muli %shift_right_logical3A_161, %mul3A_162 : i32
    %get3A_164 = arith.constant 6 : index
    %get3A_165 = tpu.vector_load %arg8[%get3A_164] {strides = array<i32>} : memref<528xi32, #tpu.memory_space<vmem>>, vector<16xi32>,
    %slice3A_166 = vector.extract_strided_slice %get3A_165 {offsets = [0], sizes = [1], strides = [1]} : vector<16xi32> to vector<1xi32>
    %squeeze3A_167 = vector.extract %slice3A_166[0] : i32 from vector<1xi32>
    %shift_right_logical3A_168 = arith.constant 7 : i32
    %shift_right_logical3A_169 = arith.shrui %squeeze3A_167, %shift_right_logical3A_168 : i32
    %mul3A_170 = arith.constant 128 : i32
    %mul3A_171 = arith.muli %shift_right_logical3A_169, %mul3A_170 : i32
    %multiple_of3A_172 = tpu.assume_multiple %mul3A_163, 128 : i32
    %dma_start3A_173 = arith.constant 0 : i32
    %dma_start3A_174 = tpu.memref_slice %arg4[%dma_start3A_173, %multiple_of3A_172] : memref<32x1000000xf32, #tpu.memory_space<hbm>> -> memref<32x128xf32, #tpu.memory_space<hbm>>
    %dma_start3A_175 = arith.constant 0 : i32
    %dma_start3A_176 = tpu.memref_slice %arg4[%dma_start3A_175, %multiple_of3A_172] : memref<32x1000000xf32, #tpu.memory_space<hbm>> -> memref<32x128xf32, #tpu.memory_space<hbm>>
    tpu.enqueue_dma source(%dma_start3A_176 : memref<32x128xf32, #tpu.memory_space<hbm>>) target(%arg16 : memref<32x128xf32, #tpu.memory_space<vmem>>) target_semaphore(%arg32 : memref<!tpu.dma_semaphore, #tpu.memory_space<semaphore_mem>>)
    %multiple_of3A_177 = tpu.assume_multiple %mul3A_171, 128 : i32
    %dma_start3A_178 = arith.constant 0 : i32
    %dma_start3A_179 = tpu.memref_slice %arg5[%dma_start3A_178, %multiple_of3A_177] : memref<32x1000000xf32, #tpu.memory_space<hbm>> -> memref<32x128xf32, #tpu.memory_space<hbm>>
    %dma_start3A_180 = arith.constant 0 : i32
    %dma_start3A_181 = tpu.memref_slice %arg5[%dma_start3A_180, %multiple_of3A_177] : memref<32x1000000xf32, #tpu.memory_space<hbm>> -> memref<32x128xf32, #tpu.memory_space<hbm>>
    tpu.enqueue_dma source(%dma_start3A_181 : memref<32x128xf32, #tpu.memory_space<hbm>>) target(%arg24 : memref<32x128xf32, #tpu.memory_space<vmem>>) target_semaphore(%arg40 : memref<!tpu.dma_semaphore, #tpu.memory_space<semaphore_mem>>)
    %get3A_182 = arith.constant 7 : index
    %get3A_183 = tpu.vector_load %arg7[%get3A_182] {strides = array<i32>} : memref<528xi32, #tpu.memory_space<vmem>>, vector<16xi32>,
    %slice3A_184 = vector.extract_strided_slice %get3A_183 {offsets = [0], sizes = [1], strides = [1]} : vector<16xi32> to vector<1xi32>
    %squeeze3A_185 = vector.extract %slice3A_184[0] : i32 from vector<1xi32>
    %shift_right_logical3A_186 = arith.constant 7 : i32
    %shift_right_logical3A_187 = arith.shrui %squeeze3A_185, %shift_right_logical3A_186 : i32
    %mul3A_188 = arith.constant 128 : i32
    %mul3A_189 = arith.muli %shift_right_logical3A_187, %mul3A_188 : i32
    %get3A_190 = arith.constant 7 : index
    %get3A_191 = tpu.vector_load %arg8[%get3A_190] {strides = array<i32>} : memref<528xi32, #tpu.memory_space<vmem>>, vector<16xi32>,
    %slice3A_192 = vector.extract_strided_slice %get3A_191 {offsets = [0], sizes = [1], strides = [1]} : vector<16xi32> to vector<1xi32>
    %squeeze3A_193 = vector.extract %slice3A_192[0] : i32 from vector<1xi32>
    %shift_right_logical3A_194 = arith.constant 7 : i32
    %shift_right_logical3A_195 = arith.shrui %squeeze3A_193, %shift_right_logical3A_194 : i32
    %mul3A_196 = arith.constant 128 : i32
    %mul3A_197 = arith.muli %shift_right_logical3A_195, %mul3A_196 : i32
    %multiple_of3A_198 = tpu.assume_multiple %mul3A_189, 128 : i32
    %dma_start3A_199 = arith.constant 0 : i32
    %dma_start3A_200 = tpu.memref_slice %arg4[%dma_start3A_199, %multiple_of3A_198] : memref<32x1000000xf32, #tpu.memory_space<hbm>> -> memref<32x128xf32, #tpu.memory_space<hbm>>
    %dma_start3A_201 = arith.constant 0 : i32
    %dma_start3A_202 = tpu.memref_slice %arg4[%dma_start3A_201, %multiple_of3A_198] : memref<32x1000000xf32, #tpu.memory_space<hbm>> -> memref<32x128xf32, #tpu.memory_space<hbm>>
    tpu.enqueue_dma source(%dma_start3A_202 : memref<32x128xf32, #tpu.memory_space<hbm>>) target(%arg17 : memref<32x128xf32, #tpu.memory_space<vmem>>) target_semaphore(%arg33 : memref<!tpu.dma_semaphore, #tpu.memory_space<semaphore_mem>>)
    %multiple_of3A_203 = tpu.assume_multiple %mul3A_197, 128 : i32
    %dma_start3A_204 = arith.constant 0 : i32
    %dma_start3A_205 = tpu.memref_slice %arg5[%dma_start3A_204, %multiple_of3A_203] : memref<32x1000000xf32, #tpu.memory_space<hbm>> -> memref<32x128xf32, #tpu.memory_space<hbm>>
    %dma_start3A_206 = arith.constant 0 : i32
    %dma_start3A_207 = tpu.memref_slice %arg5[%dma_start3A_206, %multiple_of3A_203] : memref<32x1000000xf32, #tpu.memory_space<hbm>> -> memref<32x128xf32, #tpu.memory_space<hbm>>
    tpu.enqueue_dma source(%dma_start3A_207 : memref<32x128xf32, #tpu.memory_space<hbm>>) target(%arg25 : memref<32x128xf32, #tpu.memory_space<vmem>>) target_semaphore(%arg41 : memref<!tpu.dma_semaphore, #tpu.memory_space<semaphore_mem>>)
    %scan3A = arith.constant 0 : i32
    %scan3A_208 = arith.constant 0 : i32
    %scan3A_209 = arith.constant 63 : i32
    %scan3A_210 = arith.addi %scan3A_208, %scan3A_209 : i32
    %scan3A_211 = arith.constant 1 : i32
    scf.for %scan3A_498 = %scan3A_208 to %scan3A_210 step %scan3A_211  : i32 {
      %mul3A_499 = arith.constant 8 : i32
      %mul3A_500 = arith.muli %scan3A_498, %mul3A_499 : i32
      %add3A_501 = arith.constant 0 : i32
      %add3A_502 = arith.addi %mul3A_500, %add3A_501 : i32
      %dma_wait3A_503 = arith.constant 0 : i32
      %dma_wait3A_504 = arith.constant 0 : i32
      %dma_wait3A_505 = tpu.memref_slice %arg4[%dma_wait3A_503, %dma_wait3A_504] : memref<32x1000000xf32, #tpu.memory_space<hbm>> -> memref<32x128xf32, #tpu.memory_space<hbm>>
      %dma_wait3A_506 = arith.constant 0 : i32
      %dma_wait3A_507 = arith.constant 0 : i32
      %dma_wait3A_508 = tpu.memref_slice %arg4[%dma_wait3A_506, %dma_wait3A_507] : memref<32x1000000xf32, #tpu.memory_space<hbm>> -> memref<32x128xf32, #tpu.memory_space<hbm>>
      tpu.wait_dma2 semaphore(%arg26 : memref<!tpu.dma_semaphore, #tpu.memory_space<semaphore_mem>>) src(%dma_wait3A_508 : memref<32x128xf32, #tpu.memory_space<hbm>>) dst(%arg10 : memref<32x128xf32, #tpu.memory_space<vmem>>)
      %dma_wait3A_509 = arith.constant 0 : i32
      %dma_wait3A_510 = arith.constant 0 : i32
      %dma_wait3A_511 = tpu.memref_slice %arg5[%dma_wait3A_509, %dma_wait3A_510] : memref<32x1000000xf32, #tpu.memory_space<hbm>> -> memref<32x128xf32, #tpu.memory_space<hbm>>
      %dma_wait3A_512 = arith.constant 0 : i32
      %dma_wait3A_513 = arith.constant 0 : i32
      %dma_wait3A_514 = tpu.memref_slice %arg5[%dma_wait3A_512, %dma_wait3A_513] : memref<32x1000000xf32, #tpu.memory_space<hbm>> -> memref<32x128xf32, #tpu.memory_space<hbm>>
      tpu.wait_dma2 semaphore(%arg34 : memref<!tpu.dma_semaphore, #tpu.memory_space<semaphore_mem>>) src(%dma_wait3A_514 : memref<32x128xf32, #tpu.memory_space<hbm>>) dst(%arg18 : memref<32x128xf32, #tpu.memory_space<vmem>>)
      %get3A_515 = arith.index_cast %add3A_502 : i32 to index
      %get3A_516 = tpu.vector_load %arg7[%get3A_515] {strides = array<i32>} : memref<528xi32, #tpu.memory_space<vmem>>, vector<16xi32>,
      %slice3A_517 = vector.extract_strided_slice %get3A_516 {offsets = [0], sizes = [1], strides = [1]} : vector<16xi32> to vector<1xi32>
      %squeeze3A_518 = vector.extract %slice3A_517[0] : i32 from vector<1xi32>
      %and3A_519 = arith.constant 127 : i32
      %and3A_520 = arith.andi %squeeze3A_518, %and3A_519 : i32
      %get3A_521 = arith.index_cast %add3A_502 : i32 to index
      %get3A_522 = tpu.vector_load %arg8[%get3A_521] {strides = array<i32>} : memref<528xi32, #tpu.memory_space<vmem>>, vector<16xi32>,
      %slice3A_523 = vector.extract_strided_slice %get3A_522 {offsets = [0], sizes = [1], strides = [1]} : vector<16xi32> to vector<1xi32>
      %squeeze3A_524 = vector.extract %slice3A_523[0] : i32 from vector<1xi32>
      %and3A_525 = arith.constant 127 : i32
      %and3A_526 = arith.andi %squeeze3A_524, %and3A_525 : i32
      %broadcast_in_dim3A_527 = vector.broadcast %and3A_520 : i32 to vector<16xi32>
      %broadcast_in_dim3A_528 = vector.broadcast %and3A_526 : i32 to vector<16xi32>
      %gather3A_529 = tpu.vector_load_idx %arg10[%iota3A, %broadcast_in_dim3A_527] : memref<32x128xf32, #tpu.memory_space<vmem>>[vector<16xi32>, vector<16xi32>], vector<16xf32>,
      %gather3A_530 = tpu.vector_load_idx %arg10[%add3A_5, %broadcast_in_dim3A_527] : memref<32x128xf32, #tpu.memory_space<vmem>>[vector<16xi32>, vector<16xi32>], vector<16xf32>,
      %gather3A_531 = tpu.vector_load_idx %arg18[%iota3A, %broadcast_in_dim3A_528] : memref<32x128xf32, #tpu.memory_space<vmem>>[vector<16xi32>, vector<16xi32>], vector<16xf32>,
      %gather3A_532 = tpu.vector_load_idx %arg18[%add3A_5, %broadcast_in_dim3A_528] : memref<32x128xf32, #tpu.memory_space<vmem>>[vector<16xi32>, vector<16xi32>], vector<16xf32>,
      %mul3A_533 = arith.mulf %gather3A_529, %gather3A_531 : vector<16xf32>
      %mul3A_534 = arith.constant 32 : i32
      %mul3A_535 = arith.muli %add3A_502, %mul3A_534 : i32
      %swap3A_536 = arith.index_cast %mul3A_535 : i32 to index
      %swap3A_537 = tpu.vector_load %arg9[%swap3A_536] {strides = array<i32>} : memref<16384xf32, #tpu.memory_space<vmem>>, vector<16xf32>,
      tpu.vector_store %arg9[%swap3A_536], %mul3A_533 {strides = array<i32>} : memref<16384xf32, #tpu.memory_space<vmem>>, vector<16xf32>,
      %mul3A_538 = arith.mulf %gather3A_530, %gather3A_532 : vector<16xf32>
      %mul3A_539 = arith.constant 32 : i32
      %mul3A_540 = arith.muli %add3A_502, %mul3A_539 : i32
      %add3A_541 = arith.constant 16 : i32
      %add3A_542 = arith.addi %mul3A_540, %add3A_541 : i32
      %swap3A_543 = arith.index_cast %add3A_542 : i32 to index
      %swap3A_544 = tpu.vector_load %arg9[%swap3A_543] {strides = array<i32>} : memref<16384xf32, #tpu.memory_space<vmem>>, vector<16xf32>,
      tpu.vector_store %arg9[%swap3A_543], %mul3A_538 {strides = array<i32>} : memref<16384xf32, #tpu.memory_space<vmem>>, vector<16xf32>,
      %add3A_545 = arith.constant 8 : i32
      %add3A_546 = arith.addi %add3A_502, %add3A_545 : i32
      %get3A_547 = arith.index_cast %add3A_546 : i32 to index
      %get3A_548 = tpu.vector_load %arg7[%get3A_547] {strides = array<i32>} : memref<528xi32, #tpu.memory_space<vmem>>, vector<16xi32>,
      %slice3A_549 = vector.extract_strided_slice %get3A_548 {offsets = [0], sizes = [1], strides = [1]} : vector<16xi32> to vector<1xi32>
      %squeeze3A_550 = vector.extract %slice3A_549[0] : i32 from vector<1xi32>
      %shift_right_logical3A_551 = arith.constant 7 : i32
      %shift_right_logical3A_552 = arith.shrui %squeeze3A_550, %shift_right_logical3A_551 : i32
      %mul3A_553 = arith.constant 128 : i32
      %mul3A_554 = arith.muli %shift_right_logical3A_552, %mul3A_553 : i32
      %get3A_555 = arith.index_cast %add3A_546 : i32 to index
      %get3A_556 = tpu.vector_load %arg8[%get3A_555] {strides = array<i32>} : memref<528xi32, #tpu.memory_space<vmem>>, vector<16xi32>,
      %slice3A_557 = vector.extract_strided_slice %get3A_556 {offsets = [0], sizes = [1], strides = [1]} : vector<16xi32> to vector<1xi32>
      %squeeze3A_558 = vector.extract %slice3A_557[0] : i32 from vector<1xi32>
      %shift_right_logical3A_559 = arith.constant 7 : i32
      %shift_right_logical3A_560 = arith.shrui %squeeze3A_558, %shift_right_logical3A_559 : i32
      %mul3A_561 = arith.constant 128 : i32
      %mul3A_562 = arith.muli %shift_right_logical3A_560, %mul3A_561 : i32
      %multiple_of3A_563 = tpu.assume_multiple %mul3A_554, 128 : i32
      %dma_start3A_564 = arith.constant 0 : i32
      %dma_start3A_565 = tpu.memref_slice %arg4[%dma_start3A_564, %multiple_of3A_563] : memref<32x1000000xf32, #tpu.memory_space<hbm>> -> memref<32x128xf32, #tpu.memory_space<hbm>>
      %dma_start3A_566 = arith.constant 0 : i32
      %dma_start3A_567 = tpu.memref_slice %arg4[%dma_start3A_566, %multiple_of3A_563] : memref<32x1000000xf32, #tpu.memory_space<hbm>> -> memref<32x128xf32, #tpu.memory_space<hbm>>
      tpu.enqueue_dma source(%dma_start3A_567 : memref<32x128xf32, #tpu.memory_space<hbm>>) target(%arg10 : memref<32x128xf32, #tpu.memory_space<vmem>>) target_semaphore(%arg26 : memref<!tpu.dma_semaphore, #tpu.memory_space<semaphore_mem>>)
      %multiple_of3A_568 = tpu.assume_multiple %mul3A_562, 128 : i32
      %dma_start3A_569 = arith.constant 0 : i32
      %dma_start3A_570 = tpu.memref_slice %arg5[%dma_start3A_569, %multiple_of3A_568] : memref<32x1000000xf32, #tpu.memory_space<hbm>> -> memref<32x128xf32, #tpu.memory_space<hbm>>
      %dma_start3A_571 = arith.constant 0 : i32
      %dma_start3A_572 = tpu.memref_slice %arg5[%dma_start3A_571, %multiple_of3A_568] : memref<32x1000000xf32, #tpu.memory_space<hbm>> -> memref<32x128xf32, #tpu.memory_space<hbm>>
      tpu.enqueue_dma source(%dma_start3A_572 : memref<32x128xf32, #tpu.memory_space<hbm>>) target(%arg18 : memref<32x128xf32, #tpu.memory_space<vmem>>) target_semaphore(%arg34 : memref<!tpu.dma_semaphore, #tpu.memory_space<semaphore_mem>>)
      %mul3A_573 = arith.constant 8 : i32
      %mul3A_574 = arith.muli %scan3A_498, %mul3A_573 : i32
      %add3A_575 = arith.constant 1 : i32
      %add3A_576 = arith.addi %mul3A_574, %add3A_575 : i32
      %dma_wait3A_577 = arith.constant 0 : i32
      %dma_wait3A_578 = arith.constant 0 : i32
      %dma_wait3A_579 = tpu.memref_slice %arg4[%dma_wait3A_577, %dma_wait3A_578] : memref<32x1000000xf32, #tpu.memory_space<hbm>> -> memref<32x128xf32, #tpu.memory_space<hbm>>
      %dma_wait3A_580 = arith.constant 0 : i32
      %dma_wait3A_581 = arith.constant 0 : i32
      %dma_wait3A_582 = tpu.memref_slice %arg4[%dma_wait3A_580, %dma_wait3A_581] : memref<32x1000000xf32, #tpu.memory_space<hbm>> -> memref<32x128xf32, #tpu.memory_space<hbm>>
      tpu.wait_dma2 semaphore(%arg27 : memref<!tpu.dma_semaphore, #tpu.memory_space<semaphore_mem>>) src(%dma_wait3A_582 : memref<32x128xf32, #tpu.memory_space<hbm>>) dst(%arg11 : memref<32x128xf32, #tpu.memory_space<vmem>>)
      %dma_wait3A_583 = arith.constant 0 : i32
      %dma_wait3A_584 = arith.constant 0 : i32
      %dma_wait3A_585 = tpu.memref_slice %arg5[%dma_wait3A_583, %dma_wait3A_584] : memref<32x1000000xf32, #tpu.memory_space<hbm>> -> memref<32x128xf32, #tpu.memory_space<hbm>>
      %dma_wait3A_586 = arith.constant 0 : i32
      %dma_wait3A_587 = arith.constant 0 : i32
      %dma_wait3A_588 = tpu.memref_slice %arg5[%dma_wait3A_586, %dma_wait3A_587] : memref<32x1000000xf32, #tpu.memory_space<hbm>> -> memref<32x128xf32, #tpu.memory_space<hbm>>
      tpu.wait_dma2 semaphore(%arg35 : memref<!tpu.dma_semaphore, #tpu.memory_space<semaphore_mem>>) src(%dma_wait3A_588 : memref<32x128xf32, #tpu.memory_space<hbm>>) dst(%arg19 : memref<32x128xf32, #tpu.memory_space<vmem>>)
      %get3A_589 = arith.index_cast %add3A_576 : i32 to index
      %get3A_590 = tpu.vector_load %arg7[%get3A_589] {strides = array<i32>} : memref<528xi32, #tpu.memory_space<vmem>>, vector<16xi32>,
      %slice3A_591 = vector.extract_strided_slice %get3A_590 {offsets = [0], sizes = [1], strides = [1]} : vector<16xi32> to vector<1xi32>
      %squeeze3A_592 = vector.extract %slice3A_591[0] : i32 from vector<1xi32>
      %and3A_593 = arith.constant 127 : i32
      %and3A_594 = arith.andi %squeeze3A_592, %and3A_593 : i32
      %get3A_595 = arith.index_cast %add3A_576 : i32 to index
      %get3A_596 = tpu.vector_load %arg8[%get3A_595] {strides = array<i32>} : memref<528xi32, #tpu.memory_space<vmem>>, vector<16xi32>,
      %slice3A_597 = vector.extract_strided_slice %get3A_596 {offsets = [0], sizes = [1], strides = [1]} : vector<16xi32> to vector<1xi32>
      %squeeze3A_598 = vector.extract %slice3A_597[0] : i32 from vector<1xi32>
      %and3A_599 = arith.constant 127 : i32
      %and3A_600 = arith.andi %squeeze3A_598, %and3A_599 : i32
      %broadcast_in_dim3A_601 = vector.broadcast %and3A_594 : i32 to vector<16xi32>
      %broadcast_in_dim3A_602 = vector.broadcast %and3A_600 : i32 to vector<16xi32>
      %gather3A_603 = tpu.vector_load_idx %arg11[%iota3A, %broadcast_in_dim3A_601] : memref<32x128xf32, #tpu.memory_space<vmem>>[vector<16xi32>, vector<16xi32>], vector<16xf32>,
      %gather3A_604 = tpu.vector_load_idx %arg11[%add3A_5, %broadcast_in_dim3A_601] : memref<32x128xf32, #tpu.memory_space<vmem>>[vector<16xi32>, vector<16xi32>], vector<16xf32>,
      %gather3A_605 = tpu.vector_load_idx %arg19[%iota3A, %broadcast_in_dim3A_602] : memref<32x128xf32, #tpu.memory_space<vmem>>[vector<16xi32>, vector<16xi32>], vector<16xf32>,
      %gather3A_606 = tpu.vector_load_idx %arg19[%add3A_5, %broadcast_in_dim3A_602] : memref<32x128xf32, #tpu.memory_space<vmem>>[vector<16xi32>, vector<16xi32>], vector<16xf32>,
      %mul3A_607 = arith.mulf %gather3A_603, %gather3A_605 : vector<16xf32>
      %mul3A_608 = arith.constant 32 : i32
      %mul3A_609 = arith.muli %add3A_576, %mul3A_608 : i32
      %swap3A_610 = arith.index_cast %mul3A_609 : i32 to index
      %swap3A_611 = tpu.vector_load %arg9[%swap3A_610] {strides = array<i32>} : memref<16384xf32, #tpu.memory_space<vmem>>, vector<16xf32>,
      tpu.vector_store %arg9[%swap3A_610], %mul3A_607 {strides = array<i32>} : memref<16384xf32, #tpu.memory_space<vmem>>, vector<16xf32>,
      %mul3A_612 = arith.mulf %gather3A_604, %gather3A_606 : vector<16xf32>
      %mul3A_613 = arith.constant 32 : i32
      %mul3A_614 = arith.muli %add3A_576, %mul3A_613 : i32
      %add3A_615 = arith.constant 16 : i32
      %add3A_616 = arith.addi %mul3A_614, %add3A_615 : i32
      %swap3A_617 = arith.index_cast %add3A_616 : i32 to index
      %swap3A_618 = tpu.vector_load %arg9[%swap3A_617] {strides = array<i32>} : memref<16384xf32, #tpu.memory_space<vmem>>, vector<16xf32>,
      tpu.vector_store %arg9[%swap3A_617], %mul3A_612 {strides = array<i32>} : memref<16384xf32, #tpu.memory_space<vmem>>, vector<16xf32>,
      %add3A_619 = arith.constant 8 : i32
      %add3A_620 = arith.addi %add3A_576, %add3A_619 : i32
      %get3A_621 = arith.index_cast %add3A_620 : i32 to index
      %get3A_622 = tpu.vector_load %arg7[%get3A_621] {strides = array<i32>} : memref<528xi32, #tpu.memory_space<vmem>>, vector<16xi32>,
      %slice3A_623 = vector.extract_strided_slice %get3A_622 {offsets = [0], sizes = [1], strides = [1]} : vector<16xi32> to vector<1xi32>
      %squeeze3A_624 = vector.extract %slice3A_623[0] : i32 from vector<1xi32>
      %shift_right_logical3A_625 = arith.constant 7 : i32
      %shift_right_logical3A_626 = arith.shrui %squeeze3A_624, %shift_right_logical3A_625 : i32
      %mul3A_627 = arith.constant 128 : i32
      %mul3A_628 = arith.muli %shift_right_logical3A_626, %mul3A_627 : i32
      %get3A_629 = arith.index_cast %add3A_620 : i32 to index
      %get3A_630 = tpu.vector_load %arg8[%get3A_629] {strides = array<i32>} : memref<528xi32, #tpu.memory_space<vmem>>, vector<16xi32>,
      %slice3A_631 = vector.extract_strided_slice %get3A_630 {offsets = [0], sizes = [1], strides = [1]} : vector<16xi32> to vector<1xi32>
      %squeeze3A_632 = vector.extract %slice3A_631[0] : i32 from vector<1xi32>
      %shift_right_logical3A_633 = arith.constant 7 : i32
      %shift_right_logical3A_634 = arith.shrui %squeeze3A_632, %shift_right_logical3A_633 : i32
      %mul3A_635 = arith.constant 128 : i32
      %mul3A_636 = arith.muli %shift_right_logical3A_634, %mul3A_635 : i32
      %multiple_of3A_637 = tpu.assume_multiple %mul3A_628, 128 : i32
      %dma_start3A_638 = arith.constant 0 : i32
      %dma_start3A_639 = tpu.memref_slice %arg4[%dma_start3A_638, %multiple_of3A_637] : memref<32x1000000xf32, #tpu.memory_space<hbm>> -> memref<32x128xf32, #tpu.memory_space<hbm>>
      %dma_start3A_640 = arith.constant 0 : i32
      %dma_start3A_641 = tpu.memref_slice %arg4[%dma_start3A_640, %multiple_of3A_637] : memref<32x1000000xf32, #tpu.memory_space<hbm>> -> memref<32x128xf32, #tpu.memory_space<hbm>>
      tpu.enqueue_dma source(%dma_start3A_641 : memref<32x128xf32, #tpu.memory_space<hbm>>) target(%arg11 : memref<32x128xf32, #tpu.memory_space<vmem>>) target_semaphore(%arg27 : memref<!tpu.dma_semaphore, #tpu.memory_space<semaphore_mem>>)
      %multiple_of3A_642 = tpu.assume_multiple %mul3A_636, 128 : i32
      %dma_start3A_643 = arith.constant 0 : i32
      %dma_start3A_644 = tpu.memref_slice %arg5[%dma_start3A_643, %multiple_of3A_642] : memref<32x1000000xf32, #tpu.memory_space<hbm>> -> memref<32x128xf32, #tpu.memory_space<hbm>>
      %dma_start3A_645 = arith.constant 0 : i32
      %dma_start3A_646 = tpu.memref_slice %arg5[%dma_start3A_645, %multiple_of3A_642] : memref<32x1000000xf32, #tpu.memory_space<hbm>> -> memref<32x128xf32, #tpu.memory_space<hbm>>
      tpu.enqueue_dma source(%dma_start3A_646 : memref<32x128xf32, #tpu.memory_space<hbm>>) target(%arg19 : memref<32x128xf32, #tpu.memory_space<vmem>>) target_semaphore(%arg35 : memref<!tpu.dma_semaphore, #tpu.memory_space<semaphore_mem>>)
      %mul3A_647 = arith.constant 8 : i32
      %mul3A_648 = arith.muli %scan3A_498, %mul3A_647 : i32
      %add3A_649 = arith.constant 2 : i32
      %add3A_650 = arith.addi %mul3A_648, %add3A_649 : i32
      %dma_wait3A_651 = arith.constant 0 : i32
      %dma_wait3A_652 = arith.constant 0 : i32
      %dma_wait3A_653 = tpu.memref_slice %arg4[%dma_wait3A_651, %dma_wait3A_652] : memref<32x1000000xf32, #tpu.memory_space<hbm>> -> memref<32x128xf32, #tpu.memory_space<hbm>>
      %dma_wait3A_654 = arith.constant 0 : i32
      %dma_wait3A_655 = arith.constant 0 : i32
      %dma_wait3A_656 = tpu.memref_slice %arg4[%dma_wait3A_654, %dma_wait3A_655] : memref<32x1000000xf32, #tpu.memory_space<hbm>> -> memref<32x128xf32, #tpu.memory_space<hbm>>
      tpu.wait_dma2 semaphore(%arg28 : memref<!tpu.dma_semaphore, #tpu.memory_space<semaphore_mem>>) src(%dma_wait3A_656 : memref<32x128xf32, #tpu.memory_space<hbm>>) dst(%arg12 : memref<32x128xf32, #tpu.memory_space<vmem>>)
      %dma_wait3A_657 = arith.constant 0 : i32
      %dma_wait3A_658 = arith.constant 0 : i32
      %dma_wait3A_659 = tpu.memref_slice %arg5[%dma_wait3A_657, %dma_wait3A_658] : memref<32x1000000xf32, #tpu.memory_space<hbm>> -> memref<32x128xf32, #tpu.memory_space<hbm>>
      %dma_wait3A_660 = arith.constant 0 : i32
      %dma_wait3A_661 = arith.constant 0 : i32
      %dma_wait3A_662 = tpu.memref_slice %arg5[%dma_wait3A_660, %dma_wait3A_661] : memref<32x1000000xf32, #tpu.memory_space<hbm>> -> memref<32x128xf32, #tpu.memory_space<hbm>>
      tpu.wait_dma2 semaphore(%arg36 : memref<!tpu.dma_semaphore, #tpu.memory_space<semaphore_mem>>) src(%dma_wait3A_662 : memref<32x128xf32, #tpu.memory_space<hbm>>) dst(%arg20 : memref<32x128xf32, #tpu.memory_space<vmem>>)
      %get3A_663 = arith.index_cast %add3A_650 : i32 to index
      %get3A_664 = tpu.vector_load %arg7[%get3A_663] {strides = array<i32>} : memref<528xi32, #tpu.memory_space<vmem>>, vector<16xi32>,
      %slice3A_665 = vector.extract_strided_slice %get3A_664 {offsets = [0], sizes = [1], strides = [1]} : vector<16xi32> to vector<1xi32>
      %squeeze3A_666 = vector.extract %slice3A_665[0] : i32 from vector<1xi32>
      %and3A_667 = arith.constant 127 : i32
      %and3A_668 = arith.andi %squeeze3A_666, %and3A_667 : i32
      %get3A_669 = arith.index_cast %add3A_650 : i32 to index
      %get3A_670 = tpu.vector_load %arg8[%get3A_669] {strides = array<i32>} : memref<528xi32, #tpu.memory_space<vmem>>, vector<16xi32>,
      %slice3A_671 = vector.extract_strided_slice %get3A_670 {offsets = [0], sizes = [1], strides = [1]} : vector<16xi32> to vector<1xi32>
      %squeeze3A_672 = vector.extract %slice3A_671[0] : i32 from vector<1xi32>
      %and3A_673 = arith.constant 127 : i32
      %and3A_674 = arith.andi %squeeze3A_672, %and3A_673 : i32
      %broadcast_in_dim3A_675 = vector.broadcast %and3A_668 : i32 to vector<16xi32>
      %broadcast_in_dim3A_676 = vector.broadcast %and3A_674 : i32 to vector<16xi32>
      %gather3A_677 = tpu.vector_load_idx %arg12[%iota3A, %broadcast_in_dim3A_675] : memref<32x128xf32, #tpu.memory_space<vmem>>[vector<16xi32>, vector<16xi32>], vector<16xf32>,
      %gather3A_678 = tpu.vector_load_idx %arg12[%add3A_5, %broadcast_in_dim3A_675] : memref<32x128xf32, #tpu.memory_space<vmem>>[vector<16xi32>, vector<16xi32>], vector<16xf32>,
      %gather3A_679 = tpu.vector_load_idx %arg20[%iota3A, %broadcast_in_dim3A_676] : memref<32x128xf32, #tpu.memory_space<vmem>>[vector<16xi32>, vector<16xi32>], vector<16xf32>,
      %gather3A_680 = tpu.vector_load_idx %arg20[%add3A_5, %broadcast_in_dim3A_676] : memref<32x128xf32, #tpu.memory_space<vmem>>[vector<16xi32>, vector<16xi32>], vector<16xf32>,
      %mul3A_681 = arith.mulf %gather3A_677, %gather3A_679 : vector<16xf32>
      %mul3A_682 = arith.constant 32 : i32
      %mul3A_683 = arith.muli %add3A_650, %mul3A_682 : i32
      %swap3A_684 = arith.index_cast %mul3A_683 : i32 to index
      %swap3A_685 = tpu.vector_load %arg9[%swap3A_684] {strides = array<i32>} : memref<16384xf32, #tpu.memory_space<vmem>>, vector<16xf32>,
      tpu.vector_store %arg9[%swap3A_684], %mul3A_681 {strides = array<i32>} : memref<16384xf32, #tpu.memory_space<vmem>>, vector<16xf32>,
      %mul3A_686 = arith.mulf %gather3A_678, %gather3A_680 : vector<16xf32>
      %mul3A_687 = arith.constant 32 : i32
      %mul3A_688 = arith.muli %add3A_650, %mul3A_687 : i32
      %add3A_689 = arith.constant 16 : i32
      %add3A_690 = arith.addi %mul3A_688, %add3A_689 : i32
      %swap3A_691 = arith.index_cast %add3A_690 : i32 to index
      %swap3A_692 = tpu.vector_load %arg9[%swap3A_691] {strides = array<i32>} : memref<16384xf32, #tpu.memory_space<vmem>>, vector<16xf32>,
      tpu.vector_store %arg9[%swap3A_691], %mul3A_686 {strides = array<i32>} : memref<16384xf32, #tpu.memory_space<vmem>>, vector<16xf32>,
      %add3A_693 = arith.constant 8 : i32
      %add3A_694 = arith.addi %add3A_650, %add3A_693 : i32
      %get3A_695 = arith.index_cast %add3A_694 : i32 to index
      %get3A_696 = tpu.vector_load %arg7[%get3A_695] {strides = array<i32>} : memref<528xi32, #tpu.memory_space<vmem>>, vector<16xi32>,
      %slice3A_697 = vector.extract_strided_slice %get3A_696 {offsets = [0], sizes = [1], strides = [1]} : vector<16xi32> to vector<1xi32>
      %squeeze3A_698 = vector.extract %slice3A_697[0] : i32 from vector<1xi32>
      %shift_right_logical3A_699 = arith.constant 7 : i32
      %shift_right_logical3A_700 = arith.shrui %squeeze3A_698, %shift_right_logical3A_699 : i32
      %mul3A_701 = arith.constant 128 : i32
      %mul3A_702 = arith.muli %shift_right_logical3A_700, %mul3A_701 : i32
      %get3A_703 = arith.index_cast %add3A_694 : i32 to index
      %get3A_704 = tpu.vector_load %arg8[%get3A_703] {strides = array<i32>} : memref<528xi32, #tpu.memory_space<vmem>>, vector<16xi32>,
      %slice3A_705 = vector.extract_strided_slice %get3A_704 {offsets = [0], sizes = [1], strides = [1]} : vector<16xi32> to vector<1xi32>
      %squeeze3A_706 = vector.extract %slice3A_705[0] : i32 from vector<1xi32>
      %shift_right_logical3A_707 = arith.constant 7 : i32
      %shift_right_logical3A_708 = arith.shrui %squeeze3A_706, %shift_right_logical3A_707 : i32
      %mul3A_709 = arith.constant 128 : i32
      %mul3A_710 = arith.muli %shift_right_logical3A_708, %mul3A_709 : i32
      %multiple_of3A_711 = tpu.assume_multiple %mul3A_702, 128 : i32
      %dma_start3A_712 = arith.constant 0 : i32
      %dma_start3A_713 = tpu.memref_slice %arg4[%dma_start3A_712, %multiple_of3A_711] : memref<32x1000000xf32, #tpu.memory_space<hbm>> -> memref<32x128xf32, #tpu.memory_space<hbm>>
      %dma_start3A_714 = arith.constant 0 : i32
      %dma_start3A_715 = tpu.memref_slice %arg4[%dma_start3A_714, %multiple_of3A_711] : memref<32x1000000xf32, #tpu.memory_space<hbm>> -> memref<32x128xf32, #tpu.memory_space<hbm>>
      tpu.enqueue_dma source(%dma_start3A_715 : memref<32x128xf32, #tpu.memory_space<hbm>>) target(%arg12 : memref<32x128xf32, #tpu.memory_space<vmem>>) target_semaphore(%arg28 : memref<!tpu.dma_semaphore, #tpu.memory_space<semaphore_mem>>)
      %multiple_of3A_716 = tpu.assume_multiple %mul3A_710, 128 : i32
      %dma_start3A_717 = arith.constant 0 : i32
      %dma_start3A_718 = tpu.memref_slice %arg5[%dma_start3A_717, %multiple_of3A_716] : memref<32x1000000xf32, #tpu.memory_space<hbm>> -> memref<32x128xf32, #tpu.memory_space<hbm>>
      %dma_start3A_719 = arith.constant 0 : i32
      %dma_start3A_720 = tpu.memref_slice %arg5[%dma_start3A_719, %multiple_of3A_716] : memref<32x1000000xf32, #tpu.memory_space<hbm>> -> memref<32x128xf32, #tpu.memory_space<hbm>>
      tpu.enqueue_dma source(%dma_start3A_720 : memref<32x128xf32, #tpu.memory_space<hbm>>) target(%arg20 : memref<32x128xf32, #tpu.memory_space<vmem>>) target_semaphore(%arg36 : memref<!tpu.dma_semaphore, #tpu.memory_space<semaphore_mem>>)
      %mul3A_721 = arith.constant 8 : i32
      %mul3A_722 = arith.muli %scan3A_498, %mul3A_721 : i32
      %add3A_723 = arith.constant 3 : i32
      %add3A_724 = arith.addi %mul3A_722, %add3A_723 : i32
      %dma_wait3A_725 = arith.constant 0 : i32
      %dma_wait3A_726 = arith.constant 0 : i32
      %dma_wait3A_727 = tpu.memref_slice %arg4[%dma_wait3A_725, %dma_wait3A_726] : memref<32x1000000xf32, #tpu.memory_space<hbm>> -> memref<32x128xf32, #tpu.memory_space<hbm>>
      %dma_wait3A_728 = arith.constant 0 : i32
      %dma_wait3A_729 = arith.constant 0 : i32
      %dma_wait3A_730 = tpu.memref_slice %arg4[%dma_wait3A_728, %dma_wait3A_729] : memref<32x1000000xf32, #tpu.memory_space<hbm>> -> memref<32x128xf32, #tpu.memory_space<hbm>>
      tpu.wait_dma2 semaphore(%arg29 : memref<!tpu.dma_semaphore, #tpu.memory_space<semaphore_mem>>) src(%dma_wait3A_730 : memref<32x128xf32, #tpu.memory_space<hbm>>) dst(%arg13 : memref<32x128xf32, #tpu.memory_space<vmem>>)
      %dma_wait3A_731 = arith.constant 0 : i32
      %dma_wait3A_732 = arith.constant 0 : i32
      %dma_wait3A_733 = tpu.memref_slice %arg5[%dma_wait3A_731, %dma_wait3A_732] : memref<32x1000000xf32, #tpu.memory_space<hbm>> -> memref<32x128xf32, #tpu.memory_space<hbm>>
      %dma_wait3A_734 = arith.constant 0 : i32
      %dma_wait3A_735 = arith.constant 0 : i32
      %dma_wait3A_736 = tpu.memref_slice %arg5[%dma_wait3A_734, %dma_wait3A_735] : memref<32x1000000xf32, #tpu.memory_space<hbm>> -> memref<32x128xf32, #tpu.memory_space<hbm>>
      tpu.wait_dma2 semaphore(%arg37 : memref<!tpu.dma_semaphore, #tpu.memory_space<semaphore_mem>>) src(%dma_wait3A_736 : memref<32x128xf32, #tpu.memory_space<hbm>>) dst(%arg21 : memref<32x128xf32, #tpu.memory_space<vmem>>)
      %get3A_737 = arith.index_cast %add3A_724 : i32 to index
      %get3A_738 = tpu.vector_load %arg7[%get3A_737] {strides = array<i32>} : memref<528xi32, #tpu.memory_space<vmem>>, vector<16xi32>,
      %slice3A_739 = vector.extract_strided_slice %get3A_738 {offsets = [0], sizes = [1], strides = [1]} : vector<16xi32> to vector<1xi32>
      %squeeze3A_740 = vector.extract %slice3A_739[0] : i32 from vector<1xi32>
      %and3A_741 = arith.constant 127 : i32
      %and3A_742 = arith.andi %squeeze3A_740, %and3A_741 : i32
      %get3A_743 = arith.index_cast %add3A_724 : i32 to index
      %get3A_744 = tpu.vector_load %arg8[%get3A_743] {strides = array<i32>} : memref<528xi32, #tpu.memory_space<vmem>>, vector<16xi32>,
      %slice3A_745 = vector.extract_strided_slice %get3A_744 {offsets = [0], sizes = [1], strides = [1]} : vector<16xi32> to vector<1xi32>
      %squeeze3A_746 = vector.extract %slice3A_745[0] : i32 from vector<1xi32>
      %and3A_747 = arith.constant 127 : i32
      %and3A_748 = arith.andi %squeeze3A_746, %and3A_747 : i32
      %broadcast_in_dim3A_749 = vector.broadcast %and3A_742 : i32 to vector<16xi32>
      %broadcast_in_dim3A_750 = vector.broadcast %and3A_748 : i32 to vector<16xi32>
      %gather3A_751 = tpu.vector_load_idx %arg13[%iota3A, %broadcast_in_dim3A_749] : memref<32x128xf32, #tpu.memory_space<vmem>>[vector<16xi32>, vector<16xi32>], vector<16xf32>,
      %gather3A_752 = tpu.vector_load_idx %arg13[%add3A_5, %broadcast_in_dim3A_749] : memref<32x128xf32, #tpu.memory_space<vmem>>[vector<16xi32>, vector<16xi32>], vector<16xf32>,
      %gather3A_753 = tpu.vector_load_idx %arg21[%iota3A, %broadcast_in_dim3A_750] : memref<32x128xf32, #tpu.memory_space<vmem>>[vector<16xi32>, vector<16xi32>], vector<16xf32>,
      %gather3A_754 = tpu.vector_load_idx %arg21[%add3A_5, %broadcast_in_dim3A_750] : memref<32x128xf32, #tpu.memory_space<vmem>>[vector<16xi32>, vector<16xi32>], vector<16xf32>,
      %mul3A_755 = arith.mulf %gather3A_751, %gather3A_753 : vector<16xf32>
      %mul3A_756 = arith.constant 32 : i32
      %mul3A_757 = arith.muli %add3A_724, %mul3A_756 : i32
      %swap3A_758 = arith.index_cast %mul3A_757 : i32 to index
      %swap3A_759 = tpu.vector_load %arg9[%swap3A_758] {strides = array<i32>} : memref<16384xf32, #tpu.memory_space<vmem>>, vector<16xf32>,
      tpu.vector_store %arg9[%swap3A_758], %mul3A_755 {strides = array<i32>} : memref<16384xf32, #tpu.memory_space<vmem>>, vector<16xf32>,
      %mul3A_760 = arith.mulf %gather3A_752, %gather3A_754 : vector<16xf32>
      %mul3A_761 = arith.constant 32 : i32
      %mul3A_762 = arith.muli %add3A_724, %mul3A_761 : i32
      %add3A_763 = arith.constant 16 : i32
      %add3A_764 = arith.addi %mul3A_762, %add3A_763 : i32
      %swap3A_765 = arith.index_cast %add3A_764 : i32 to index
      %swap3A_766 = tpu.vector_load %arg9[%swap3A_765] {strides = array<i32>} : memref<16384xf32, #tpu.memory_space<vmem>>, vector<16xf32>,
      tpu.vector_store %arg9[%swap3A_765], %mul3A_760 {strides = array<i32>} : memref<16384xf32, #tpu.memory_space<vmem>>, vector<16xf32>,
      %add3A_767 = arith.constant 8 : i32
      %add3A_768 = arith.addi %add3A_724, %add3A_767 : i32
      %get3A_769 = arith.index_cast %add3A_768 : i32 to index
      %get3A_770 = tpu.vector_load %arg7[%get3A_769] {strides = array<i32>} : memref<528xi32, #tpu.memory_space<vmem>>, vector<16xi32>,
      %slice3A_771 = vector.extract_strided_slice %get3A_770 {offsets = [0], sizes = [1], strides = [1]} : vector<16xi32> to vector<1xi32>
      %squeeze3A_772 = vector.extract %slice3A_771[0] : i32 from vector<1xi32>
      %shift_right_logical3A_773 = arith.constant 7 : i32
      %shift_right_logical3A_774 = arith.shrui %squeeze3A_772, %shift_right_logical3A_773 : i32
      %mul3A_775 = arith.constant 128 : i32
      %mul3A_776 = arith.muli %shift_right_logical3A_774, %mul3A_775 : i32
      %get3A_777 = arith.index_cast %add3A_768 : i32 to index
      %get3A_778 = tpu.vector_load %arg8[%get3A_777] {strides = array<i32>} : memref<528xi32, #tpu.memory_space<vmem>>, vector<16xi32>,
      %slice3A_779 = vector.extract_strided_slice %get3A_778 {offsets = [0], sizes = [1], strides = [1]} : vector<16xi32> to vector<1xi32>
      %squeeze3A_780 = vector.extract %slice3A_779[0] : i32 from vector<1xi32>
      %shift_right_logical3A_781 = arith.constant 7 : i32
      %shift_right_logical3A_782 = arith.shrui %squeeze3A_780, %shift_right_logical3A_781 : i32
      %mul3A_783 = arith.constant 128 : i32
      %mul3A_784 = arith.muli %shift_right_logical3A_782, %mul3A_783 : i32
      %multiple_of3A_785 = tpu.assume_multiple %mul3A_776, 128 : i32
      %dma_start3A_786 = arith.constant 0 : i32
      %dma_start3A_787 = tpu.memref_slice %arg4[%dma_start3A_786, %multiple_of3A_785] : memref<32x1000000xf32, #tpu.memory_space<hbm>> -> memref<32x128xf32, #tpu.memory_space<hbm>>
      %dma_start3A_788 = arith.constant 0 : i32
      %dma_start3A_789 = tpu.memref_slice %arg4[%dma_start3A_788, %multiple_of3A_785] : memref<32x1000000xf32, #tpu.memory_space<hbm>> -> memref<32x128xf32, #tpu.memory_space<hbm>>
      tpu.enqueue_dma source(%dma_start3A_789 : memref<32x128xf32, #tpu.memory_space<hbm>>) target(%arg13 : memref<32x128xf32, #tpu.memory_space<vmem>>) target_semaphore(%arg29 : memref<!tpu.dma_semaphore, #tpu.memory_space<semaphore_mem>>)
      %multiple_of3A_790 = tpu.assume_multiple %mul3A_784, 128 : i32
      %dma_start3A_791 = arith.constant 0 : i32
      %dma_start3A_792 = tpu.memref_slice %arg5[%dma_start3A_791, %multiple_of3A_790] : memref<32x1000000xf32, #tpu.memory_space<hbm>> -> memref<32x128xf32, #tpu.memory_space<hbm>>
      %dma_start3A_793 = arith.constant 0 : i32
      %dma_start3A_794 = tpu.memref_slice %arg5[%dma_start3A_793, %multiple_of3A_790] : memref<32x1000000xf32, #tpu.memory_space<hbm>> -> memref<32x128xf32, #tpu.memory_space<hbm>>
      tpu.enqueue_dma source(%dma_start3A_794 : memref<32x128xf32, #tpu.memory_space<hbm>>) target(%arg21 : memref<32x128xf32, #tpu.memory_space<vmem>>) target_semaphore(%arg37 : memref<!tpu.dma_semaphore, #tpu.memory_space<semaphore_mem>>)
      %mul3A_795 = arith.constant 8 : i32
      %mul3A_796 = arith.muli %scan3A_498, %mul3A_795 : i32
      %add3A_797 = arith.constant 4 : i32
      %add3A_798 = arith.addi %mul3A_796, %add3A_797 : i32
      %dma_wait3A_799 = arith.constant 0 : i32
      %dma_wait3A_800 = arith.constant 0 : i32
      %dma_wait3A_801 = tpu.memref_slice %arg4[%dma_wait3A_799, %dma_wait3A_800] : memref<32x1000000xf32, #tpu.memory_space<hbm>> -> memref<32x128xf32, #tpu.memory_space<hbm>>
      %dma_wait3A_802 = arith.constant 0 : i32
      %dma_wait3A_803 = arith.constant 0 : i32
      %dma_wait3A_804 = tpu.memref_slice %arg4[%dma_wait3A_802, %dma_wait3A_803] : memref<32x1000000xf32, #tpu.memory_space<hbm>> -> memref<32x128xf32, #tpu.memory_space<hbm>>
      tpu.wait_dma2 semaphore(%arg30 : memref<!tpu.dma_semaphore, #tpu.memory_space<semaphore_mem>>) src(%dma_wait3A_804 : memref<32x128xf32, #tpu.memory_space<hbm>>) dst(%arg14 : memref<32x128xf32, #tpu.memory_space<vmem>>)
      %dma_wait3A_805 = arith.constant 0 : i32
      %dma_wait3A_806 = arith.constant 0 : i32
      %dma_wait3A_807 = tpu.memref_slice %arg5[%dma_wait3A_805, %dma_wait3A_806] : memref<32x1000000xf32, #tpu.memory_space<hbm>> -> memref<32x128xf32, #tpu.memory_space<hbm>>
      %dma_wait3A_808 = arith.constant 0 : i32
      %dma_wait3A_809 = arith.constant 0 : i32
      %dma_wait3A_810 = tpu.memref_slice %arg5[%dma_wait3A_808, %dma_wait3A_809] : memref<32x1000000xf32, #tpu.memory_space<hbm>> -> memref<32x128xf32, #tpu.memory_space<hbm>>
      tpu.wait_dma2 semaphore(%arg38 : memref<!tpu.dma_semaphore, #tpu.memory_space<semaphore_mem>>) src(%dma_wait3A_810 : memref<32x128xf32, #tpu.memory_space<hbm>>) dst(%arg22 : memref<32x128xf32, #tpu.memory_space<vmem>>)
      %get3A_811 = arith.index_cast %add3A_798 : i32 to index
      %get3A_812 = tpu.vector_load %arg7[%get3A_811] {strides = array<i32>} : memref<528xi32, #tpu.memory_space<vmem>>, vector<16xi32>,
      %slice3A_813 = vector.extract_strided_slice %get3A_812 {offsets = [0], sizes = [1], strides = [1]} : vector<16xi32> to vector<1xi32>
      %squeeze3A_814 = vector.extract %slice3A_813[0] : i32 from vector<1xi32>
      %and3A_815 = arith.constant 127 : i32
      %and3A_816 = arith.andi %squeeze3A_814, %and3A_815 : i32
      %get3A_817 = arith.index_cast %add3A_798 : i32 to index
      %get3A_818 = tpu.vector_load %arg8[%get3A_817] {strides = array<i32>} : memref<528xi32, #tpu.memory_space<vmem>>, vector<16xi32>,
      %slice3A_819 = vector.extract_strided_slice %get3A_818 {offsets = [0], sizes = [1], strides = [1]} : vector<16xi32> to vector<1xi32>
      %squeeze3A_820 = vector.extract %slice3A_819[0] : i32 from vector<1xi32>
      %and3A_821 = arith.constant 127 : i32
      %and3A_822 = arith.andi %squeeze3A_820, %and3A_821 : i32
      %broadcast_in_dim3A_823 = vector.broadcast %and3A_816 : i32 to vector<16xi32>
      %broadcast_in_dim3A_824 = vector.broadcast %and3A_822 : i32 to vector<16xi32>
      %gather3A_825 = tpu.vector_load_idx %arg14[%iota3A, %broadcast_in_dim3A_823] : memref<32x128xf32, #tpu.memory_space<vmem>>[vector<16xi32>, vector<16xi32>], vector<16xf32>,
      %gather3A_826 = tpu.vector_load_idx %arg14[%add3A_5, %broadcast_in_dim3A_823] : memref<32x128xf32, #tpu.memory_space<vmem>>[vector<16xi32>, vector<16xi32>], vector<16xf32>,
      %gather3A_827 = tpu.vector_load_idx %arg22[%iota3A, %broadcast_in_dim3A_824] : memref<32x128xf32, #tpu.memory_space<vmem>>[vector<16xi32>, vector<16xi32>], vector<16xf32>,
      %gather3A_828 = tpu.vector_load_idx %arg22[%add3A_5, %broadcast_in_dim3A_824] : memref<32x128xf32, #tpu.memory_space<vmem>>[vector<16xi32>, vector<16xi32>], vector<16xf32>,
      %mul3A_829 = arith.mulf %gather3A_825, %gather3A_827 : vector<16xf32>
      %mul3A_830 = arith.constant 32 : i32
      %mul3A_831 = arith.muli %add3A_798, %mul3A_830 : i32
      %swap3A_832 = arith.index_cast %mul3A_831 : i32 to index
      %swap3A_833 = tpu.vector_load %arg9[%swap3A_832] {strides = array<i32>} : memref<16384xf32, #tpu.memory_space<vmem>>, vector<16xf32>,
      tpu.vector_store %arg9[%swap3A_832], %mul3A_829 {strides = array<i32>} : memref<16384xf32, #tpu.memory_space<vmem>>, vector<16xf32>,
      %mul3A_834 = arith.mulf %gather3A_826, %gather3A_828 : vector<16xf32>
      %mul3A_835 = arith.constant 32 : i32
      %mul3A_836 = arith.muli %add3A_798, %mul3A_835 : i32
      %add3A_837 = arith.constant 16 : i32
      %add3A_838 = arith.addi %mul3A_836, %add3A_837 : i32
      %swap3A_839 = arith.index_cast %add3A_838 : i32 to index
      %swap3A_840 = tpu.vector_load %arg9[%swap3A_839] {strides = array<i32>} : memref<16384xf32, #tpu.memory_space<vmem>>, vector<16xf32>,
      tpu.vector_store %arg9[%swap3A_839], %mul3A_834 {strides = array<i32>} : memref<16384xf32, #tpu.memory_space<vmem>>, vector<16xf32>,
      %add3A_841 = arith.constant 8 : i32
      %add3A_842 = arith.addi %add3A_798, %add3A_841 : i32
      %get3A_843 = arith.index_cast %add3A_842 : i32 to index
      %get3A_844 = tpu.vector_load %arg7[%get3A_843] {strides = array<i32>} : memref<528xi32, #tpu.memory_space<vmem>>, vector<16xi32>,
      %slice3A_845 = vector.extract_strided_slice %get3A_844 {offsets = [0], sizes = [1], strides = [1]} : vector<16xi32> to vector<1xi32>
      %squeeze3A_846 = vector.extract %slice3A_845[0] : i32 from vector<1xi32>
      %shift_right_logical3A_847 = arith.constant 7 : i32
      %shift_right_logical3A_848 = arith.shrui %squeeze3A_846, %shift_right_logical3A_847 : i32
      %mul3A_849 = arith.constant 128 : i32
      %mul3A_850 = arith.muli %shift_right_logical3A_848, %mul3A_849 : i32
      %get3A_851 = arith.index_cast %add3A_842 : i32 to index
      %get3A_852 = tpu.vector_load %arg8[%get3A_851] {strides = array<i32>} : memref<528xi32, #tpu.memory_space<vmem>>, vector<16xi32>,
      %slice3A_853 = vector.extract_strided_slice %get3A_852 {offsets = [0], sizes = [1], strides = [1]} : vector<16xi32> to vector<1xi32>
      %squeeze3A_854 = vector.extract %slice3A_853[0] : i32 from vector<1xi32>
      %shift_right_logical3A_855 = arith.constant 7 : i32
      %shift_right_logical3A_856 = arith.shrui %squeeze3A_854, %shift_right_logical3A_855 : i32
      %mul3A_857 = arith.constant 128 : i32
      %mul3A_858 = arith.muli %shift_right_logical3A_856, %mul3A_857 : i32
      %multiple_of3A_859 = tpu.assume_multiple %mul3A_850, 128 : i32
      %dma_start3A_860 = arith.constant 0 : i32
      %dma_start3A_861 = tpu.memref_slice %arg4[%dma_start3A_860, %multiple_of3A_859] : memref<32x1000000xf32, #tpu.memory_space<hbm>> -> memref<32x128xf32, #tpu.memory_space<hbm>>
      %dma_start3A_862 = arith.constant 0 : i32
      %dma_start3A_863 = tpu.memref_slice %arg4[%dma_start3A_862, %multiple_of3A_859] : memref<32x1000000xf32, #tpu.memory_space<hbm>> -> memref<32x128xf32, #tpu.memory_space<hbm>>
      tpu.enqueue_dma source(%dma_start3A_863 : memref<32x128xf32, #tpu.memory_space<hbm>>) target(%arg14 : memref<32x128xf32, #tpu.memory_space<vmem>>) target_semaphore(%arg30 : memref<!tpu.dma_semaphore, #tpu.memory_space<semaphore_mem>>)
      %multiple_of3A_864 = tpu.assume_multiple %mul3A_858, 128 : i32
      %dma_start3A_865 = arith.constant 0 : i32
      %dma_start3A_866 = tpu.memref_slice %arg5[%dma_start3A_865, %multiple_of3A_864] : memref<32x1000000xf32, #tpu.memory_space<hbm>> -> memref<32x128xf32, #tpu.memory_space<hbm>>
      %dma_start3A_867 = arith.constant 0 : i32
      %dma_start3A_868 = tpu.memref_slice %arg5[%dma_start3A_867, %multiple_of3A_864] : memref<32x1000000xf32, #tpu.memory_space<hbm>> -> memref<32x128xf32, #tpu.memory_space<hbm>>
      tpu.enqueue_dma source(%dma_start3A_868 : memref<32x128xf32, #tpu.memory_space<hbm>>) target(%arg22 : memref<32x128xf32, #tpu.memory_space<vmem>>) target_semaphore(%arg38 : memref<!tpu.dma_semaphore, #tpu.memory_space<semaphore_mem>>)
      %mul3A_869 = arith.constant 8 : i32
      %mul3A_870 = arith.muli %scan3A_498, %mul3A_869 : i32
      %add3A_871 = arith.constant 5 : i32
      %add3A_872 = arith.addi %mul3A_870, %add3A_871 : i32
      %dma_wait3A_873 = arith.constant 0 : i32
      %dma_wait3A_874 = arith.constant 0 : i32
      %dma_wait3A_875 = tpu.memref_slice %arg4[%dma_wait3A_873, %dma_wait3A_874] : memref<32x1000000xf32, #tpu.memory_space<hbm>> -> memref<32x128xf32, #tpu.memory_space<hbm>>
      %dma_wait3A_876 = arith.constant 0 : i32
      %dma_wait3A_877 = arith.constant 0 : i32
      %dma_wait3A_878 = tpu.memref_slice %arg4[%dma_wait3A_876, %dma_wait3A_877] : memref<32x1000000xf32, #tpu.memory_space<hbm>> -> memref<32x128xf32, #tpu.memory_space<hbm>>
      tpu.wait_dma2 semaphore(%arg31 : memref<!tpu.dma_semaphore, #tpu.memory_space<semaphore_mem>>) src(%dma_wait3A_878 : memref<32x128xf32, #tpu.memory_space<hbm>>) dst(%arg15 : memref<32x128xf32, #tpu.memory_space<vmem>>)
      %dma_wait3A_879 = arith.constant 0 : i32
      %dma_wait3A_880 = arith.constant 0 : i32
      %dma_wait3A_881 = tpu.memref_slice %arg5[%dma_wait3A_879, %dma_wait3A_880] : memref<32x1000000xf32, #tpu.memory_space<hbm>> -> memref<32x128xf32, #tpu.memory_space<hbm>>
      %dma_wait3A_882 = arith.constant 0 : i32
      %dma_wait3A_883 = arith.constant 0 : i32
      %dma_wait3A_884 = tpu.memref_slice %arg5[%dma_wait3A_882, %dma_wait3A_883] : memref<32x1000000xf32, #tpu.memory_space<hbm>> -> memref<32x128xf32, #tpu.memory_space<hbm>>
      tpu.wait_dma2 semaphore(%arg39 : memref<!tpu.dma_semaphore, #tpu.memory_space<semaphore_mem>>) src(%dma_wait3A_884 : memref<32x128xf32, #tpu.memory_space<hbm>>) dst(%arg23 : memref<32x128xf32, #tpu.memory_space<vmem>>)
      %get3A_885 = arith.index_cast %add3A_872 : i32 to index
      %get3A_886 = tpu.vector_load %arg7[%get3A_885] {strides = array<i32>} : memref<528xi32, #tpu.memory_space<vmem>>, vector<16xi32>,
      %slice3A_887 = vector.extract_strided_slice %get3A_886 {offsets = [0], sizes = [1], strides = [1]} : vector<16xi32> to vector<1xi32>
      %squeeze3A_888 = vector.extract %slice3A_887[0] : i32 from vector<1xi32>
      %and3A_889 = arith.constant 127 : i32
      %and3A_890 = arith.andi %squeeze3A_888, %and3A_889 : i32
      %get3A_891 = arith.index_cast %add3A_872 : i32 to index
      %get3A_892 = tpu.vector_load %arg8[%get3A_891] {strides = array<i32>} : memref<528xi32, #tpu.memory_space<vmem>>, vector<16xi32>,
      %slice3A_893 = vector.extract_strided_slice %get3A_892 {offsets = [0], sizes = [1], strides = [1]} : vector<16xi32> to vector<1xi32>
      %squeeze3A_894 = vector.extract %slice3A_893[0] : i32 from vector<1xi32>
      %and3A_895 = arith.constant 127 : i32
      %and3A_896 = arith.andi %squeeze3A_894, %and3A_895 : i32
      %broadcast_in_dim3A_897 = vector.broadcast %and3A_890 : i32 to vector<16xi32>
      %broadcast_in_dim3A_898 = vector.broadcast %and3A_896 : i32 to vector<16xi32>
      %gather3A_899 = tpu.vector_load_idx %arg15[%iota3A, %broadcast_in_dim3A_897] : memref<32x128xf32, #tpu.memory_space<vmem>>[vector<16xi32>, vector<16xi32>], vector<16xf32>,
      %gather3A_900 = tpu.vector_load_idx %arg15[%add3A_5, %broadcast_in_dim3A_897] : memref<32x128xf32, #tpu.memory_space<vmem>>[vector<16xi32>, vector<16xi32>], vector<16xf32>,
      %gather3A_901 = tpu.vector_load_idx %arg23[%iota3A, %broadcast_in_dim3A_898] : memref<32x128xf32, #tpu.memory_space<vmem>>[vector<16xi32>, vector<16xi32>], vector<16xf32>,
      %gather3A_902 = tpu.vector_load_idx %arg23[%add3A_5, %broadcast_in_dim3A_898] : memref<32x128xf32, #tpu.memory_space<vmem>>[vector<16xi32>, vector<16xi32>], vector<16xf32>,
      %mul3A_903 = arith.mulf %gather3A_899, %gather3A_901 : vector<16xf32>
      %mul3A_904 = arith.constant 32 : i32
      %mul3A_905 = arith.muli %add3A_872, %mul3A_904 : i32
      %swap3A_906 = arith.index_cast %mul3A_905 : i32 to index
      %swap3A_907 = tpu.vector_load %arg9[%swap3A_906] {strides = array<i32>} : memref<16384xf32, #tpu.memory_space<vmem>>, vector<16xf32>,
      tpu.vector_store %arg9[%swap3A_906], %mul3A_903 {strides = array<i32>} : memref<16384xf32, #tpu.memory_space<vmem>>, vector<16xf32>,
      %mul3A_908 = arith.mulf %gather3A_900, %gather3A_902 : vector<16xf32>
      %mul3A_909 = arith.constant 32 : i32
      %mul3A_910 = arith.muli %add3A_872, %mul3A_909 : i32
      %add3A_911 = arith.constant 16 : i32
      %add3A_912 = arith.addi %mul3A_910, %add3A_911 : i32
      %swap3A_913 = arith.index_cast %add3A_912 : i32 to index
      %swap3A_914 = tpu.vector_load %arg9[%swap3A_913] {strides = array<i32>} : memref<16384xf32, #tpu.memory_space<vmem>>, vector<16xf32>,
      tpu.vector_store %arg9[%swap3A_913], %mul3A_908 {strides = array<i32>} : memref<16384xf32, #tpu.memory_space<vmem>>, vector<16xf32>,
      %add3A_915 = arith.constant 8 : i32
      %add3A_916 = arith.addi %add3A_872, %add3A_915 : i32
      %get3A_917 = arith.index_cast %add3A_916 : i32 to index
      %get3A_918 = tpu.vector_load %arg7[%get3A_917] {strides = array<i32>} : memref<528xi32, #tpu.memory_space<vmem>>, vector<16xi32>,
      %slice3A_919 = vector.extract_strided_slice %get3A_918 {offsets = [0], sizes = [1], strides = [1]} : vector<16xi32> to vector<1xi32>
      %squeeze3A_920 = vector.extract %slice3A_919[0] : i32 from vector<1xi32>
      %shift_right_logical3A_921 = arith.constant 7 : i32
      %shift_right_logical3A_922 = arith.shrui %squeeze3A_920, %shift_right_logical3A_921 : i32
      %mul3A_923 = arith.constant 128 : i32
      %mul3A_924 = arith.muli %shift_right_logical3A_922, %mul3A_923 : i32
      %get3A_925 = arith.index_cast %add3A_916 : i32 to index
      %get3A_926 = tpu.vector_load %arg8[%get3A_925] {strides = array<i32>} : memref<528xi32, #tpu.memory_space<vmem>>, vector<16xi32>,
      %slice3A_927 = vector.extract_strided_slice %get3A_926 {offsets = [0], sizes = [1], strides = [1]} : vector<16xi32> to vector<1xi32>
      %squeeze3A_928 = vector.extract %slice3A_927[0] : i32 from vector<1xi32>
      %shift_right_logical3A_929 = arith.constant 7 : i32
      %shift_right_logical3A_930 = arith.shrui %squeeze3A_928, %shift_right_logical3A_929 : i32
      %mul3A_931 = arith.constant 128 : i32
      %mul3A_932 = arith.muli %shift_right_logical3A_930, %mul3A_931 : i32
      %multiple_of3A_933 = tpu.assume_multiple %mul3A_924, 128 : i32
      %dma_start3A_934 = arith.constant 0 : i32
      %dma_start3A_935 = tpu.memref_slice %arg4[%dma_start3A_934, %multiple_of3A_933] : memref<32x1000000xf32, #tpu.memory_space<hbm>> -> memref<32x128xf32, #tpu.memory_space<hbm>>
      %dma_start3A_936 = arith.constant 0 : i32
      %dma_start3A_937 = tpu.memref_slice %arg4[%dma_start3A_936, %multiple_of3A_933] : memref<32x1000000xf32, #tpu.memory_space<hbm>> -> memref<32x128xf32, #tpu.memory_space<hbm>>
      tpu.enqueue_dma source(%dma_start3A_937 : memref<32x128xf32, #tpu.memory_space<hbm>>) target(%arg15 : memref<32x128xf32, #tpu.memory_space<vmem>>) target_semaphore(%arg31 : memref<!tpu.dma_semaphore, #tpu.memory_space<semaphore_mem>>)
      %multiple_of3A_938 = tpu.assume_multiple %mul3A_932, 128 : i32
      %dma_start3A_939 = arith.constant 0 : i32
      %dma_start3A_940 = tpu.memref_slice %arg5[%dma_start3A_939, %multiple_of3A_938] : memref<32x1000000xf32, #tpu.memory_space<hbm>> -> memref<32x128xf32, #tpu.memory_space<hbm>>
      %dma_start3A_941 = arith.constant 0 : i32
      %dma_start3A_942 = tpu.memref_slice %arg5[%dma_start3A_941, %multiple_of3A_938] : memref<32x1000000xf32, #tpu.memory_space<hbm>> -> memref<32x128xf32, #tpu.memory_space<hbm>>
      tpu.enqueue_dma source(%dma_start3A_942 : memref<32x128xf32, #tpu.memory_space<hbm>>) target(%arg23 : memref<32x128xf32, #tpu.memory_space<vmem>>) target_semaphore(%arg39 : memref<!tpu.dma_semaphore, #tpu.memory_space<semaphore_mem>>)
      %mul3A_943 = arith.constant 8 : i32
      %mul3A_944 = arith.muli %scan3A_498, %mul3A_943 : i32
      %add3A_945 = arith.constant 6 : i32
      %add3A_946 = arith.addi %mul3A_944, %add3A_945 : i32
      %dma_wait3A_947 = arith.constant 0 : i32
      %dma_wait3A_948 = arith.constant 0 : i32
      %dma_wait3A_949 = tpu.memref_slice %arg4[%dma_wait3A_947, %dma_wait3A_948] : memref<32x1000000xf32, #tpu.memory_space<hbm>> -> memref<32x128xf32, #tpu.memory_space<hbm>>
      %dma_wait3A_950 = arith.constant 0 : i32
      %dma_wait3A_951 = arith.constant 0 : i32
      %dma_wait3A_952 = tpu.memref_slice %arg4[%dma_wait3A_950, %dma_wait3A_951] : memref<32x1000000xf32, #tpu.memory_space<hbm>> -> memref<32x128xf32, #tpu.memory_space<hbm>>
      tpu.wait_dma2 semaphore(%arg32 : memref<!tpu.dma_semaphore, #tpu.memory_space<semaphore_mem>>) src(%dma_wait3A_952 : memref<32x128xf32, #tpu.memory_space<hbm>>) dst(%arg16 : memref<32x128xf32, #tpu.memory_space<vmem>>)
      %dma_wait3A_953 = arith.constant 0 : i32
      %dma_wait3A_954 = arith.constant 0 : i32
      %dma_wait3A_955 = tpu.memref_slice %arg5[%dma_wait3A_953, %dma_wait3A_954] : memref<32x1000000xf32, #tpu.memory_space<hbm>> -> memref<32x128xf32, #tpu.memory_space<hbm>>
      %dma_wait3A_956 = arith.constant 0 : i32
      %dma_wait3A_957 = arith.constant 0 : i32
      %dma_wait3A_958 = tpu.memref_slice %arg5[%dma_wait3A_956, %dma_wait3A_957] : memref<32x1000000xf32, #tpu.memory_space<hbm>> -> memref<32x128xf32, #tpu.memory_space<hbm>>
      tpu.wait_dma2 semaphore(%arg40 : memref<!tpu.dma_semaphore, #tpu.memory_space<semaphore_mem>>) src(%dma_wait3A_958 : memref<32x128xf32, #tpu.memory_space<hbm>>) dst(%arg24 : memref<32x128xf32, #tpu.memory_space<vmem>>)
      %get3A_959 = arith.index_cast %add3A_946 : i32 to index
      %get3A_960 = tpu.vector_load %arg7[%get3A_959] {strides = array<i32>} : memref<528xi32, #tpu.memory_space<vmem>>, vector<16xi32>,
      %slice3A_961 = vector.extract_strided_slice %get3A_960 {offsets = [0], sizes = [1], strides = [1]} : vector<16xi32> to vector<1xi32>
      %squeeze3A_962 = vector.extract %slice3A_961[0] : i32 from vector<1xi32>
      %and3A_963 = arith.constant 127 : i32
      %and3A_964 = arith.andi %squeeze3A_962, %and3A_963 : i32
      %get3A_965 = arith.index_cast %add3A_946 : i32 to index
      %get3A_966 = tpu.vector_load %arg8[%get3A_965] {strides = array<i32>} : memref<528xi32, #tpu.memory_space<vmem>>, vector<16xi32>,
      %slice3A_967 = vector.extract_strided_slice %get3A_966 {offsets = [0], sizes = [1], strides = [1]} : vector<16xi32> to vector<1xi32>
      %squeeze3A_968 = vector.extract %slice3A_967[0] : i32 from vector<1xi32>
      %and3A_969 = arith.constant 127 : i32
      %and3A_970 = arith.andi %squeeze3A_968, %and3A_969 : i32
      %broadcast_in_dim3A_971 = vector.broadcast %and3A_964 : i32 to vector<16xi32>
      %broadcast_in_dim3A_972 = vector.broadcast %and3A_970 : i32 to vector<16xi32>
      %gather3A_973 = tpu.vector_load_idx %arg16[%iota3A, %broadcast_in_dim3A_971] : memref<32x128xf32, #tpu.memory_space<vmem>>[vector<16xi32>, vector<16xi32>], vector<16xf32>,
      %gather3A_974 = tpu.vector_load_idx %arg16[%add3A_5, %broadcast_in_dim3A_971] : memref<32x128xf32, #tpu.memory_space<vmem>>[vector<16xi32>, vector<16xi32>], vector<16xf32>,
      %gather3A_975 = tpu.vector_load_idx %arg24[%iota3A, %broadcast_in_dim3A_972] : memref<32x128xf32, #tpu.memory_space<vmem>>[vector<16xi32>, vector<16xi32>], vector<16xf32>,
      %gather3A_976 = tpu.vector_load_idx %arg24[%add3A_5, %broadcast_in_dim3A_972] : memref<32x128xf32, #tpu.memory_space<vmem>>[vector<16xi32>, vector<16xi32>], vector<16xf32>,
      %mul3A_977 = arith.mulf %gather3A_973, %gather3A_975 : vector<16xf32>
      %mul3A_978 = arith.constant 32 : i32
      %mul3A_979 = arith.muli %add3A_946, %mul3A_978 : i32
      %swap3A_980 = arith.index_cast %mul3A_979 : i32 to index
      %swap3A_981 = tpu.vector_load %arg9[%swap3A_980] {strides = array<i32>} : memref<16384xf32, #tpu.memory_space<vmem>>, vector<16xf32>,
      tpu.vector_store %arg9[%swap3A_980], %mul3A_977 {strides = array<i32>} : memref<16384xf32, #tpu.memory_space<vmem>>, vector<16xf32>,
      %mul3A_982 = arith.mulf %gather3A_974, %gather3A_976 : vector<16xf32>
      %mul3A_983 = arith.constant 32 : i32
      %mul3A_984 = arith.muli %add3A_946, %mul3A_983 : i32
      %add3A_985 = arith.constant 16 : i32
      %add3A_986 = arith.addi %mul3A_984, %add3A_985 : i32
      %swap3A_987 = arith.index_cast %add3A_986 : i32 to index
      %swap3A_988 = tpu.vector_load %arg9[%swap3A_987] {strides = array<i32>} : memref<16384xf32, #tpu.memory_space<vmem>>, vector<16xf32>,
      tpu.vector_store %arg9[%swap3A_987], %mul3A_982 {strides = array<i32>} : memref<16384xf32, #tpu.memory_space<vmem>>, vector<16xf32>,
      %add3A_989 = arith.constant 8 : i32
      %add3A_990 = arith.addi %add3A_946, %add3A_989 : i32
      %get3A_991 = arith.index_cast %add3A_990 : i32 to index
      %get3A_992 = tpu.vector_load %arg7[%get3A_991] {strides = array<i32>} : memref<528xi32, #tpu.memory_space<vmem>>, vector<16xi32>,
      %slice3A_993 = vector.extract_strided_slice %get3A_992 {offsets = [0], sizes = [1], strides = [1]} : vector<16xi32> to vector<1xi32>
      %squeeze3A_994 = vector.extract %slice3A_993[0] : i32 from vector<1xi32>
      %shift_right_logical3A_995 = arith.constant 7 : i32
      %shift_right_logical3A_996 = arith.shrui %squeeze3A_994, %shift_right_logical3A_995 : i32
      %mul3A_997 = arith.constant 128 : i32
      %mul3A_998 = arith.muli %shift_right_logical3A_996, %mul3A_997 : i32
      %get3A_999 = arith.index_cast %add3A_990 : i32 to index
      %get3A_1000 = tpu.vector_load %arg8[%get3A_999] {strides = array<i32>} : memref<528xi32, #tpu.memory_space<vmem>>, vector<16xi32>,
      %slice3A_1001 = vector.extract_strided_slice %get3A_1000 {offsets = [0], sizes = [1], strides = [1]} : vector<16xi32> to vector<1xi32>
      %squeeze3A_1002 = vector.extract %slice3A_1001[0] : i32 from vector<1xi32>
      %shift_right_logical3A_1003 = arith.constant 7 : i32
      %shift_right_logical3A_1004 = arith.shrui %squeeze3A_1002, %shift_right_logical3A_1003 : i32
      %mul3A_1005 = arith.constant 128 : i32
      %mul3A_1006 = arith.muli %shift_right_logical3A_1004, %mul3A_1005 : i32
      %multiple_of3A_1007 = tpu.assume_multiple %mul3A_998, 128 : i32
      %dma_start3A_1008 = arith.constant 0 : i32
      %dma_start3A_1009 = tpu.memref_slice %arg4[%dma_start3A_1008, %multiple_of3A_1007] : memref<32x1000000xf32, #tpu.memory_space<hbm>> -> memref<32x128xf32, #tpu.memory_space<hbm>>
      %dma_start3A_1010 = arith.constant 0 : i32
      %dma_start3A_1011 = tpu.memref_slice %arg4[%dma_start3A_1010, %multiple_of3A_1007] : memref<32x1000000xf32, #tpu.memory_space<hbm>> -> memref<32x128xf32, #tpu.memory_space<hbm>>
      tpu.enqueue_dma source(%dma_start3A_1011 : memref<32x128xf32, #tpu.memory_space<hbm>>) target(%arg16 : memref<32x128xf32, #tpu.memory_space<vmem>>) target_semaphore(%arg32 : memref<!tpu.dma_semaphore, #tpu.memory_space<semaphore_mem>>)
      %multiple_of3A_1012 = tpu.assume_multiple %mul3A_1006, 128 : i32
      %dma_start3A_1013 = arith.constant 0 : i32
      %dma_start3A_1014 = tpu.memref_slice %arg5[%dma_start3A_1013, %multiple_of3A_1012] : memref<32x1000000xf32, #tpu.memory_space<hbm>> -> memref<32x128xf32, #tpu.memory_space<hbm>>
      %dma_start3A_1015 = arith.constant 0 : i32
      %dma_start3A_1016 = tpu.memref_slice %arg5[%dma_start3A_1015, %multiple_of3A_1012] : memref<32x1000000xf32, #tpu.memory_space<hbm>> -> memref<32x128xf32, #tpu.memory_space<hbm>>
      tpu.enqueue_dma source(%dma_start3A_1016 : memref<32x128xf32, #tpu.memory_space<hbm>>) target(%arg24 : memref<32x128xf32, #tpu.memory_space<vmem>>) target_semaphore(%arg40 : memref<!tpu.dma_semaphore, #tpu.memory_space<semaphore_mem>>)
      %mul3A_1017 = arith.constant 8 : i32
      %mul3A_1018 = arith.muli %scan3A_498, %mul3A_1017 : i32
      %add3A_1019 = arith.constant 7 : i32
      %add3A_1020 = arith.addi %mul3A_1018, %add3A_1019 : i32
      %dma_wait3A_1021 = arith.constant 0 : i32
      %dma_wait3A_1022 = arith.constant 0 : i32
      %dma_wait3A_1023 = tpu.memref_slice %arg4[%dma_wait3A_1021, %dma_wait3A_1022] : memref<32x1000000xf32, #tpu.memory_space<hbm>> -> memref<32x128xf32, #tpu.memory_space<hbm>>
      %dma_wait3A_1024 = arith.constant 0 : i32
      %dma_wait3A_1025 = arith.constant 0 : i32
      %dma_wait3A_1026 = tpu.memref_slice %arg4[%dma_wait3A_1024, %dma_wait3A_1025] : memref<32x1000000xf32, #tpu.memory_space<hbm>> -> memref<32x128xf32, #tpu.memory_space<hbm>>
      tpu.wait_dma2 semaphore(%arg33 : memref<!tpu.dma_semaphore, #tpu.memory_space<semaphore_mem>>) src(%dma_wait3A_1026 : memref<32x128xf32, #tpu.memory_space<hbm>>) dst(%arg17 : memref<32x128xf32, #tpu.memory_space<vmem>>)
      %dma_wait3A_1027 = arith.constant 0 : i32
      %dma_wait3A_1028 = arith.constant 0 : i32
      %dma_wait3A_1029 = tpu.memref_slice %arg5[%dma_wait3A_1027, %dma_wait3A_1028] : memref<32x1000000xf32, #tpu.memory_space<hbm>> -> memref<32x128xf32, #tpu.memory_space<hbm>>
      %dma_wait3A_1030 = arith.constant 0 : i32
      %dma_wait3A_1031 = arith.constant 0 : i32
      %dma_wait3A_1032 = tpu.memref_slice %arg5[%dma_wait3A_1030, %dma_wait3A_1031] : memref<32x1000000xf32, #tpu.memory_space<hbm>> -> memref<32x128xf32, #tpu.memory_space<hbm>>
      tpu.wait_dma2 semaphore(%arg41 : memref<!tpu.dma_semaphore, #tpu.memory_space<semaphore_mem>>) src(%dma_wait3A_1032 : memref<32x128xf32, #tpu.memory_space<hbm>>) dst(%arg25 : memref<32x128xf32, #tpu.memory_space<vmem>>)
      %get3A_1033 = arith.index_cast %add3A_1020 : i32 to index
      %get3A_1034 = tpu.vector_load %arg7[%get3A_1033] {strides = array<i32>} : memref<528xi32, #tpu.memory_space<vmem>>, vector<16xi32>,
      %slice3A_1035 = vector.extract_strided_slice %get3A_1034 {offsets = [0], sizes = [1], strides = [1]} : vector<16xi32> to vector<1xi32>
      %squeeze3A_1036 = vector.extract %slice3A_1035[0] : i32 from vector<1xi32>
      %and3A_1037 = arith.constant 127 : i32
      %and3A_1038 = arith.andi %squeeze3A_1036, %and3A_1037 : i32
      %get3A_1039 = arith.index_cast %add3A_1020 : i32 to index
      %get3A_1040 = tpu.vector_load %arg8[%get3A_1039] {strides = array<i32>} : memref<528xi32, #tpu.memory_space<vmem>>, vector<16xi32>,
      %slice3A_1041 = vector.extract_strided_slice %get3A_1040 {offsets = [0], sizes = [1], strides = [1]} : vector<16xi32> to vector<1xi32>
      %squeeze3A_1042 = vector.extract %slice3A_1041[0] : i32 from vector<1xi32>
      %and3A_1043 = arith.constant 127 : i32
      %and3A_1044 = arith.andi %squeeze3A_1042, %and3A_1043 : i32
      %broadcast_in_dim3A_1045 = vector.broadcast %and3A_1038 : i32 to vector<16xi32>
      %broadcast_in_dim3A_1046 = vector.broadcast %and3A_1044 : i32 to vector<16xi32>
      %gather3A_1047 = tpu.vector_load_idx %arg17[%iota3A, %broadcast_in_dim3A_1045] : memref<32x128xf32, #tpu.memory_space<vmem>>[vector<16xi32>, vector<16xi32>], vector<16xf32>,
      %gather3A_1048 = tpu.vector_load_idx %arg17[%add3A_5, %broadcast_in_dim3A_1045] : memref<32x128xf32, #tpu.memory_space<vmem>>[vector<16xi32>, vector<16xi32>], vector<16xf32>,
      %gather3A_1049 = tpu.vector_load_idx %arg25[%iota3A, %broadcast_in_dim3A_1046] : memref<32x128xf32, #tpu.memory_space<vmem>>[vector<16xi32>, vector<16xi32>], vector<16xf32>,
      %gather3A_1050 = tpu.vector_load_idx %arg25[%add3A_5, %broadcast_in_dim3A_1046] : memref<32x128xf32, #tpu.memory_space<vmem>>[vector<16xi32>, vector<16xi32>], vector<16xf32>,
      %mul3A_1051 = arith.mulf %gather3A_1047, %gather3A_1049 : vector<16xf32>
      %mul3A_1052 = arith.constant 32 : i32
      %mul3A_1053 = arith.muli %add3A_1020, %mul3A_1052 : i32
      %swap3A_1054 = arith.index_cast %mul3A_1053 : i32 to index
      %swap3A_1055 = tpu.vector_load %arg9[%swap3A_1054] {strides = array<i32>} : memref<16384xf32, #tpu.memory_space<vmem>>, vector<16xf32>,
      tpu.vector_store %arg9[%swap3A_1054], %mul3A_1051 {strides = array<i32>} : memref<16384xf32, #tpu.memory_space<vmem>>, vector<16xf32>,
      %mul3A_1056 = arith.mulf %gather3A_1048, %gather3A_1050 : vector<16xf32>
      %mul3A_1057 = arith.constant 32 : i32
      %mul3A_1058 = arith.muli %add3A_1020, %mul3A_1057 : i32
      %add3A_1059 = arith.constant 16 : i32
      %add3A_1060 = arith.addi %mul3A_1058, %add3A_1059 : i32
      %swap3A_1061 = arith.index_cast %add3A_1060 : i32 to index
      %swap3A_1062 = tpu.vector_load %arg9[%swap3A_1061] {strides = array<i32>} : memref<16384xf32, #tpu.memory_space<vmem>>, vector<16xf32>,
      tpu.vector_store %arg9[%swap3A_1061], %mul3A_1056 {strides = array<i32>} : memref<16384xf32, #tpu.memory_space<vmem>>, vector<16xf32>,
      %add3A_1063 = arith.constant 8 : i32
      %add3A_1064 = arith.addi %add3A_1020, %add3A_1063 : i32
      %get3A_1065 = arith.index_cast %add3A_1064 : i32 to index
      %get3A_1066 = tpu.vector_load %arg7[%get3A_1065] {strides = array<i32>} : memref<528xi32, #tpu.memory_space<vmem>>, vector<16xi32>,
      %slice3A_1067 = vector.extract_strided_slice %get3A_1066 {offsets = [0], sizes = [1], strides = [1]} : vector<16xi32> to vector<1xi32>
      %squeeze3A_1068 = vector.extract %slice3A_1067[0] : i32 from vector<1xi32>
      %shift_right_logical3A_1069 = arith.constant 7 : i32
      %shift_right_logical3A_1070 = arith.shrui %squeeze3A_1068, %shift_right_logical3A_1069 : i32
      %mul3A_1071 = arith.constant 128 : i32
      %mul3A_1072 = arith.muli %shift_right_logical3A_1070, %mul3A_1071 : i32
      %get3A_1073 = arith.index_cast %add3A_1064 : i32 to index
      %get3A_1074 = tpu.vector_load %arg8[%get3A_1073] {strides = array<i32>} : memref<528xi32, #tpu.memory_space<vmem>>, vector<16xi32>,
      %slice3A_1075 = vector.extract_strided_slice %get3A_1074 {offsets = [0], sizes = [1], strides = [1]} : vector<16xi32> to vector<1xi32>
      %squeeze3A_1076 = vector.extract %slice3A_1075[0] : i32 from vector<1xi32>
      %shift_right_logical3A_1077 = arith.constant 7 : i32
      %shift_right_logical3A_1078 = arith.shrui %squeeze3A_1076, %shift_right_logical3A_1077 : i32
      %mul3A_1079 = arith.constant 128 : i32
      %mul3A_1080 = arith.muli %shift_right_logical3A_1078, %mul3A_1079 : i32
      %multiple_of3A_1081 = tpu.assume_multiple %mul3A_1072, 128 : i32
      %dma_start3A_1082 = arith.constant 0 : i32
      %dma_start3A_1083 = tpu.memref_slice %arg4[%dma_start3A_1082, %multiple_of3A_1081] : memref<32x1000000xf32, #tpu.memory_space<hbm>> -> memref<32x128xf32, #tpu.memory_space<hbm>>
      %dma_start3A_1084 = arith.constant 0 : i32
      %dma_start3A_1085 = tpu.memref_slice %arg4[%dma_start3A_1084, %multiple_of3A_1081] : memref<32x1000000xf32, #tpu.memory_space<hbm>> -> memref<32x128xf32, #tpu.memory_space<hbm>>
      tpu.enqueue_dma source(%dma_start3A_1085 : memref<32x128xf32, #tpu.memory_space<hbm>>) target(%arg17 : memref<32x128xf32, #tpu.memory_space<vmem>>) target_semaphore(%arg33 : memref<!tpu.dma_semaphore, #tpu.memory_space<semaphore_mem>>)
      %multiple_of3A_1086 = tpu.assume_multiple %mul3A_1080, 128 : i32
      %dma_start3A_1087 = arith.constant 0 : i32
      %dma_start3A_1088 = tpu.memref_slice %arg5[%dma_start3A_1087, %multiple_of3A_1086] : memref<32x1000000xf32, #tpu.memory_space<hbm>> -> memref<32x128xf32, #tpu.memory_space<hbm>>
      %dma_start3A_1089 = arith.constant 0 : i32
      %dma_start3A_1090 = tpu.memref_slice %arg5[%dma_start3A_1089, %multiple_of3A_1086] : memref<32x1000000xf32, #tpu.memory_space<hbm>> -> memref<32x128xf32, #tpu.memory_space<hbm>>
      tpu.enqueue_dma source(%dma_start3A_1090 : memref<32x128xf32, #tpu.memory_space<hbm>>) target(%arg25 : memref<32x128xf32, #tpu.memory_space<vmem>>) target_semaphore(%arg41 : memref<!tpu.dma_semaphore, #tpu.memory_space<semaphore_mem>>)
    }
    %scan3A_212 = arith.constant 63 : i32
    %dma_wait3A = arith.constant 0 : i32
    %dma_wait3A_213 = arith.constant 0 : i32
    %dma_wait3A_214 = tpu.memref_slice %arg4[%dma_wait3A, %dma_wait3A_213] : memref<32x1000000xf32, #tpu.memory_space<hbm>> -> memref<32x128xf32, #tpu.memory_space<hbm>>
    %dma_wait3A_215 = arith.constant 0 : i32
    %dma_wait3A_216 = arith.constant 0 : i32
    %dma_wait3A_217 = tpu.memref_slice %arg4[%dma_wait3A_215, %dma_wait3A_216] : memref<32x1000000xf32, #tpu.memory_space<hbm>> -> memref<32x128xf32, #tpu.memory_space<hbm>>
    tpu.wait_dma2 semaphore(%arg26 : memref<!tpu.dma_semaphore, #tpu.memory_space<semaphore_mem>>) src(%dma_wait3A_217 : memref<32x128xf32, #tpu.memory_space<hbm>>) dst(%arg10 : memref<32x128xf32, #tpu.memory_space<vmem>>)
    %dma_wait3A_218 = arith.constant 0 : i32
    %dma_wait3A_219 = arith.constant 0 : i32
    %dma_wait3A_220 = tpu.memref_slice %arg5[%dma_wait3A_218, %dma_wait3A_219] : memref<32x1000000xf32, #tpu.memory_space<hbm>> -> memref<32x128xf32, #tpu.memory_space<hbm>>
    %dma_wait3A_221 = arith.constant 0 : i32
    %dma_wait3A_222 = arith.constant 0 : i32
    %dma_wait3A_223 = tpu.memref_slice %arg5[%dma_wait3A_221, %dma_wait3A_222] : memref<32x1000000xf32, #tpu.memory_space<hbm>> -> memref<32x128xf32, #tpu.memory_space<hbm>>
    tpu.wait_dma2 semaphore(%arg34 : memref<!tpu.dma_semaphore, #tpu.memory_space<semaphore_mem>>) src(%dma_wait3A_223 : memref<32x128xf32, #tpu.memory_space<hbm>>) dst(%arg18 : memref<32x128xf32, #tpu.memory_space<vmem>>)
    %get3A_224 = arith.constant 504 : index
    %get3A_225 = tpu.vector_load %arg7[%get3A_224] {strides = array<i32>} : memref<528xi32, #tpu.memory_space<vmem>>, vector<16xi32>,
    %slice3A_226 = vector.extract_strided_slice %get3A_225 {offsets = [0], sizes = [1], strides = [1]} : vector<16xi32> to vector<1xi32>
    %squeeze3A_227 = vector.extract %slice3A_226[0] : i32 from vector<1xi32>
    %and3A = arith.constant 127 : i32
    %and3A_228 = arith.andi %squeeze3A_227, %and3A : i32
    %get3A_229 = arith.constant 504 : index
    %get3A_230 = tpu.vector_load %arg8[%get3A_229] {strides = array<i32>} : memref<528xi32, #tpu.memory_space<vmem>>, vector<16xi32>,
    %slice3A_231 = vector.extract_strided_slice %get3A_230 {offsets = [0], sizes = [1], strides = [1]} : vector<16xi32> to vector<1xi32>
    %squeeze3A_232 = vector.extract %slice3A_231[0] : i32 from vector<1xi32>
    %and3A_233 = arith.constant 127 : i32
    %and3A_234 = arith.andi %squeeze3A_232, %and3A_233 : i32
    %broadcast_in_dim3A = vector.broadcast %and3A_228 : i32 to vector<16xi32>
    %broadcast_in_dim3A_235 = vector.broadcast %and3A_234 : i32 to vector<16xi32>
    %gather3A = tpu.vector_load_idx %arg10[%iota3A, %broadcast_in_dim3A] : memref<32x128xf32, #tpu.memory_space<vmem>>[vector<16xi32>, vector<16xi32>], vector<16xf32>,
    %gather3A_236 = tpu.vector_load_idx %arg10[%add3A_5, %broadcast_in_dim3A] : memref<32x128xf32, #tpu.memory_space<vmem>>[vector<16xi32>, vector<16xi32>], vector<16xf32>,
    %gather3A_237 = tpu.vector_load_idx %arg18[%iota3A, %broadcast_in_dim3A_235] : memref<32x128xf32, #tpu.memory_space<vmem>>[vector<16xi32>, vector<16xi32>], vector<16xf32>,
    %gather3A_238 = tpu.vector_load_idx %arg18[%add3A_5, %broadcast_in_dim3A_235] : memref<32x128xf32, #tpu.memory_space<vmem>>[vector<16xi32>, vector<16xi32>], vector<16xf32>,
    %mul3A_239 = arith.mulf %gather3A, %gather3A_237 : vector<16xf32>
    %swap3A = arith.constant 16128 : index
    %swap3A_240 = tpu.vector_load %arg9[%swap3A] {strides = array<i32>} : memref<16384xf32, #tpu.memory_space<vmem>>, vector<16xf32>,
    tpu.vector_store %arg9[%swap3A], %mul3A_239 {strides = array<i32>} : memref<16384xf32, #tpu.memory_space<vmem>>, vector<16xf32>,
    %mul3A_241 = arith.mulf %gather3A_236, %gather3A_238 : vector<16xf32>
    %swap3A_242 = arith.constant 16144 : index
    %swap3A_243 = tpu.vector_load %arg9[%swap3A_242] {strides = array<i32>} : memref<16384xf32, #tpu.memory_space<vmem>>, vector<16xf32>,
    tpu.vector_store %arg9[%swap3A_242], %mul3A_241 {strides = array<i32>} : memref<16384xf32, #tpu.memory_space<vmem>>, vector<16xf32>,
    %dma_wait3A_244 = arith.constant 0 : i32
    %dma_wait3A_245 = arith.constant 0 : i32
    %dma_wait3A_246 = tpu.memref_slice %arg4[%dma_wait3A_244, %dma_wait3A_245] : memref<32x1000000xf32, #tpu.memory_space<hbm>> -> memref<32x128xf32, #tpu.memory_space<hbm>>
    %dma_wait3A_247 = arith.constant 0 : i32
    %dma_wait3A_248 = arith.constant 0 : i32
    %dma_wait3A_249 = tpu.memref_slice %arg4[%dma_wait3A_247, %dma_wait3A_248] : memref<32x1000000xf32, #tpu.memory_space<hbm>> -> memref<32x128xf32, #tpu.memory_space<hbm>>
    tpu.wait_dma2 semaphore(%arg27 : memref<!tpu.dma_semaphore, #tpu.memory_space<semaphore_mem>>) src(%dma_wait3A_249 : memref<32x128xf32, #tpu.memory_space<hbm>>) dst(%arg11 : memref<32x128xf32, #tpu.memory_space<vmem>>)
    %dma_wait3A_250 = arith.constant 0 : i32
    %dma_wait3A_251 = arith.constant 0 : i32
    %dma_wait3A_252 = tpu.memref_slice %arg5[%dma_wait3A_250, %dma_wait3A_251] : memref<32x1000000xf32, #tpu.memory_space<hbm>> -> memref<32x128xf32, #tpu.memory_space<hbm>>
    %dma_wait3A_253 = arith.constant 0 : i32
    %dma_wait3A_254 = arith.constant 0 : i32
    %dma_wait3A_255 = tpu.memref_slice %arg5[%dma_wait3A_253, %dma_wait3A_254] : memref<32x1000000xf32, #tpu.memory_space<hbm>> -> memref<32x128xf32, #tpu.memory_space<hbm>>
    tpu.wait_dma2 semaphore(%arg35 : memref<!tpu.dma_semaphore, #tpu.memory_space<semaphore_mem>>) src(%dma_wait3A_255 : memref<32x128xf32, #tpu.memory_space<hbm>>) dst(%arg19 : memref<32x128xf32, #tpu.memory_space<vmem>>)
    %get3A_256 = arith.constant 505 : index
    %get3A_257 = tpu.vector_load %arg7[%get3A_256] {strides = array<i32>} : memref<528xi32, #tpu.memory_space<vmem>>, vector<16xi32>,
    %slice3A_258 = vector.extract_strided_slice %get3A_257 {offsets = [0], sizes = [1], strides = [1]} : vector<16xi32> to vector<1xi32>
    %squeeze3A_259 = vector.extract %slice3A_258[0] : i32 from vector<1xi32>
    %and3A_260 = arith.constant 127 : i32
    %and3A_261 = arith.andi %squeeze3A_259, %and3A_260 : i32
    %get3A_262 = arith.constant 505 : index
    %get3A_263 = tpu.vector_load %arg8[%get3A_262] {strides = array<i32>} : memref<528xi32, #tpu.memory_space<vmem>>, vector<16xi32>,
    %slice3A_264 = vector.extract_strided_slice %get3A_263 {offsets = [0], sizes = [1], strides = [1]} : vector<16xi32> to vector<1xi32>
    %squeeze3A_265 = vector.extract %slice3A_264[0] : i32 from vector<1xi32>
    %and3A_266 = arith.constant 127 : i32
    %and3A_267 = arith.andi %squeeze3A_265, %and3A_266 : i32
    %broadcast_in_dim3A_268 = vector.broadcast %and3A_261 : i32 to vector<16xi32>
    %broadcast_in_dim3A_269 = vector.broadcast %and3A_267 : i32 to vector<16xi32>
    %gather3A_270 = tpu.vector_load_idx %arg11[%iota3A, %broadcast_in_dim3A_268] : memref<32x128xf32, #tpu.memory_space<vmem>>[vector<16xi32>, vector<16xi32>], vector<16xf32>,
    %gather3A_271 = tpu.vector_load_idx %arg11[%add3A_5, %broadcast_in_dim3A_268] : memref<32x128xf32, #tpu.memory_space<vmem>>[vector<16xi32>, vector<16xi32>], vector<16xf32>,
    %gather3A_272 = tpu.vector_load_idx %arg19[%iota3A, %broadcast_in_dim3A_269] : memref<32x128xf32, #tpu.memory_space<vmem>>[vector<16xi32>, vector<16xi32>], vector<16xf32>,
    %gather3A_273 = tpu.vector_load_idx %arg19[%add3A_5, %broadcast_in_dim3A_269] : memref<32x128xf32, #tpu.memory_space<vmem>>[vector<16xi32>, vector<16xi32>], vector<16xf32>,
    %mul3A_274 = arith.mulf %gather3A_270, %gather3A_272 : vector<16xf32>
    %swap3A_275 = arith.constant 16160 : index
    %swap3A_276 = tpu.vector_load %arg9[%swap3A_275] {strides = array<i32>} : memref<16384xf32, #tpu.memory_space<vmem>>, vector<16xf32>,
    tpu.vector_store %arg9[%swap3A_275], %mul3A_274 {strides = array<i32>} : memref<16384xf32, #tpu.memory_space<vmem>>, vector<16xf32>,
    %mul3A_277 = arith.mulf %gather3A_271, %gather3A_273 : vector<16xf32>
    %swap3A_278 = arith.constant 16176 : index
    %swap3A_279 = tpu.vector_load %arg9[%swap3A_278] {strides = array<i32>} : memref<16384xf32, #tpu.memory_space<vmem>>, vector<16xf32>,
    tpu.vector_store %arg9[%swap3A_278], %mul3A_277 {strides = array<i32>} : memref<16384xf32, #tpu.memory_space<vmem>>, vector<16xf32>,
    %dma_wait3A_280 = arith.constant 0 : i32
    %dma_wait3A_281 = arith.constant 0 : i32
    %dma_wait3A_282 = tpu.memref_slice %arg4[%dma_wait3A_280, %dma_wait3A_281] : memref<32x1000000xf32, #tpu.memory_space<hbm>> -> memref<32x128xf32, #tpu.memory_space<hbm>>
    %dma_wait3A_283 = arith.constant 0 : i32
    %dma_wait3A_284 = arith.constant 0 : i32
    %dma_wait3A_285 = tpu.memref_slice %arg4[%dma_wait3A_283, %dma_wait3A_284] : memref<32x1000000xf32, #tpu.memory_space<hbm>> -> memref<32x128xf32, #tpu.memory_space<hbm>>
    tpu.wait_dma2 semaphore(%arg28 : memref<!tpu.dma_semaphore, #tpu.memory_space<semaphore_mem>>) src(%dma_wait3A_285 : memref<32x128xf32, #tpu.memory_space<hbm>>) dst(%arg12 : memref<32x128xf32, #tpu.memory_space<vmem>>)
    %dma_wait3A_286 = arith.constant 0 : i32
    %dma_wait3A_287 = arith.constant 0 : i32
    %dma_wait3A_288 = tpu.memref_slice %arg5[%dma_wait3A_286, %dma_wait3A_287] : memref<32x1000000xf32, #tpu.memory_space<hbm>> -> memref<32x128xf32, #tpu.memory_space<hbm>>
    %dma_wait3A_289 = arith.constant 0 : i32
    %dma_wait3A_290 = arith.constant 0 : i32
    %dma_wait3A_291 = tpu.memref_slice %arg5[%dma_wait3A_289, %dma_wait3A_290] : memref<32x1000000xf32, #tpu.memory_space<hbm>> -> memref<32x128xf32, #tpu.memory_space<hbm>>
    tpu.wait_dma2 semaphore(%arg36 : memref<!tpu.dma_semaphore, #tpu.memory_space<semaphore_mem>>) src(%dma_wait3A_291 : memref<32x128xf32, #tpu.memory_space<hbm>>) dst(%arg20 : memref<32x128xf32, #tpu.memory_space<vmem>>)
    %get3A_292 = arith.constant 506 : index
    %get3A_293 = tpu.vector_load %arg7[%get3A_292] {strides = array<i32>} : memref<528xi32, #tpu.memory_space<vmem>>, vector<16xi32>,
    %slice3A_294 = vector.extract_strided_slice %get3A_293 {offsets = [0], sizes = [1], strides = [1]} : vector<16xi32> to vector<1xi32>
    %squeeze3A_295 = vector.extract %slice3A_294[0] : i32 from vector<1xi32>
    %and3A_296 = arith.constant 127 : i32
    %and3A_297 = arith.andi %squeeze3A_295, %and3A_296 : i32
    %get3A_298 = arith.constant 506 : index
    %get3A_299 = tpu.vector_load %arg8[%get3A_298] {strides = array<i32>} : memref<528xi32, #tpu.memory_space<vmem>>, vector<16xi32>,
    %slice3A_300 = vector.extract_strided_slice %get3A_299 {offsets = [0], sizes = [1], strides = [1]} : vector<16xi32> to vector<1xi32>
    %squeeze3A_301 = vector.extract %slice3A_300[0] : i32 from vector<1xi32>
    %and3A_302 = arith.constant 127 : i32
    %and3A_303 = arith.andi %squeeze3A_301, %and3A_302 : i32
    %broadcast_in_dim3A_304 = vector.broadcast %and3A_297 : i32 to vector<16xi32>
    %broadcast_in_dim3A_305 = vector.broadcast %and3A_303 : i32 to vector<16xi32>
    %gather3A_306 = tpu.vector_load_idx %arg12[%iota3A, %broadcast_in_dim3A_304] : memref<32x128xf32, #tpu.memory_space<vmem>>[vector<16xi32>, vector<16xi32>], vector<16xf32>,
    %gather3A_307 = tpu.vector_load_idx %arg12[%add3A_5, %broadcast_in_dim3A_304] : memref<32x128xf32, #tpu.memory_space<vmem>>[vector<16xi32>, vector<16xi32>], vector<16xf32>,
    %gather3A_308 = tpu.vector_load_idx %arg20[%iota3A, %broadcast_in_dim3A_305] : memref<32x128xf32, #tpu.memory_space<vmem>>[vector<16xi32>, vector<16xi32>], vector<16xf32>,
    %gather3A_309 = tpu.vector_load_idx %arg20[%add3A_5, %broadcast_in_dim3A_305] : memref<32x128xf32, #tpu.memory_space<vmem>>[vector<16xi32>, vector<16xi32>], vector<16xf32>,
    %mul3A_310 = arith.mulf %gather3A_306, %gather3A_308 : vector<16xf32>
    %swap3A_311 = arith.constant 16192 : index
    %swap3A_312 = tpu.vector_load %arg9[%swap3A_311] {strides = array<i32>} : memref<16384xf32, #tpu.memory_space<vmem>>, vector<16xf32>,
    tpu.vector_store %arg9[%swap3A_311], %mul3A_310 {strides = array<i32>} : memref<16384xf32, #tpu.memory_space<vmem>>, vector<16xf32>,
    %mul3A_313 = arith.mulf %gather3A_307, %gather3A_309 : vector<16xf32>
    %swap3A_314 = arith.constant 16208 : index
    %swap3A_315 = tpu.vector_load %arg9[%swap3A_314] {strides = array<i32>} : memref<16384xf32, #tpu.memory_space<vmem>>, vector<16xf32>,
    tpu.vector_store %arg9[%swap3A_314], %mul3A_313 {strides = array<i32>} : memref<16384xf32, #tpu.memory_space<vmem>>, vector<16xf32>,
    %dma_wait3A_316 = arith.constant 0 : i32
    %dma_wait3A_317 = arith.constant 0 : i32
    %dma_wait3A_318 = tpu.memref_slice %arg4[%dma_wait3A_316, %dma_wait3A_317] : memref<32x1000000xf32, #tpu.memory_space<hbm>> -> memref<32x128xf32, #tpu.memory_space<hbm>>
    %dma_wait3A_319 = arith.constant 0 : i32
    %dma_wait3A_320 = arith.constant 0 : i32
    %dma_wait3A_321 = tpu.memref_slice %arg4[%dma_wait3A_319, %dma_wait3A_320] : memref<32x1000000xf32, #tpu.memory_space<hbm>> -> memref<32x128xf32, #tpu.memory_space<hbm>>
    tpu.wait_dma2 semaphore(%arg29 : memref<!tpu.dma_semaphore, #tpu.memory_space<semaphore_mem>>) src(%dma_wait3A_321 : memref<32x128xf32, #tpu.memory_space<hbm>>) dst(%arg13 : memref<32x128xf32, #tpu.memory_space<vmem>>)
    %dma_wait3A_322 = arith.constant 0 : i32
    %dma_wait3A_323 = arith.constant 0 : i32
    %dma_wait3A_324 = tpu.memref_slice %arg5[%dma_wait3A_322, %dma_wait3A_323] : memref<32x1000000xf32, #tpu.memory_space<hbm>> -> memref<32x128xf32, #tpu.memory_space<hbm>>
    %dma_wait3A_325 = arith.constant 0 : i32
    %dma_wait3A_326 = arith.constant 0 : i32
    %dma_wait3A_327 = tpu.memref_slice %arg5[%dma_wait3A_325, %dma_wait3A_326] : memref<32x1000000xf32, #tpu.memory_space<hbm>> -> memref<32x128xf32, #tpu.memory_space<hbm>>
    tpu.wait_dma2 semaphore(%arg37 : memref<!tpu.dma_semaphore, #tpu.memory_space<semaphore_mem>>) src(%dma_wait3A_327 : memref<32x128xf32, #tpu.memory_space<hbm>>) dst(%arg21 : memref<32x128xf32, #tpu.memory_space<vmem>>)
    %get3A_328 = arith.constant 507 : index
    %get3A_329 = tpu.vector_load %arg7[%get3A_328] {strides = array<i32>} : memref<528xi32, #tpu.memory_space<vmem>>, vector<16xi32>,
    %slice3A_330 = vector.extract_strided_slice %get3A_329 {offsets = [0], sizes = [1], strides = [1]} : vector<16xi32> to vector<1xi32>
    %squeeze3A_331 = vector.extract %slice3A_330[0] : i32 from vector<1xi32>
    %and3A_332 = arith.constant 127 : i32
    %and3A_333 = arith.andi %squeeze3A_331, %and3A_332 : i32
    %get3A_334 = arith.constant 507 : index
    %get3A_335 = tpu.vector_load %arg8[%get3A_334] {strides = array<i32>} : memref<528xi32, #tpu.memory_space<vmem>>, vector<16xi32>,
    %slice3A_336 = vector.extract_strided_slice %get3A_335 {offsets = [0], sizes = [1], strides = [1]} : vector<16xi32> to vector<1xi32>
    %squeeze3A_337 = vector.extract %slice3A_336[0] : i32 from vector<1xi32>
    %and3A_338 = arith.constant 127 : i32
    %and3A_339 = arith.andi %squeeze3A_337, %and3A_338 : i32
    %broadcast_in_dim3A_340 = vector.broadcast %and3A_333 : i32 to vector<16xi32>
    %broadcast_in_dim3A_341 = vector.broadcast %and3A_339 : i32 to vector<16xi32>
    %gather3A_342 = tpu.vector_load_idx %arg13[%iota3A, %broadcast_in_dim3A_340] : memref<32x128xf32, #tpu.memory_space<vmem>>[vector<16xi32>, vector<16xi32>], vector<16xf32>,
    %gather3A_343 = tpu.vector_load_idx %arg13[%add3A_5, %broadcast_in_dim3A_340] : memref<32x128xf32, #tpu.memory_space<vmem>>[vector<16xi32>, vector<16xi32>], vector<16xf32>,
    %gather3A_344 = tpu.vector_load_idx %arg21[%iota3A, %broadcast_in_dim3A_341] : memref<32x128xf32, #tpu.memory_space<vmem>>[vector<16xi32>, vector<16xi32>], vector<16xf32>,
    %gather3A_345 = tpu.vector_load_idx %arg21[%add3A_5, %broadcast_in_dim3A_341] : memref<32x128xf32, #tpu.memory_space<vmem>>[vector<16xi32>, vector<16xi32>], vector<16xf32>,
    %mul3A_346 = arith.mulf %gather3A_342, %gather3A_344 : vector<16xf32>
    %swap3A_347 = arith.constant 16224 : index
    %swap3A_348 = tpu.vector_load %arg9[%swap3A_347] {strides = array<i32>} : memref<16384xf32, #tpu.memory_space<vmem>>, vector<16xf32>,
    tpu.vector_store %arg9[%swap3A_347], %mul3A_346 {strides = array<i32>} : memref<16384xf32, #tpu.memory_space<vmem>>, vector<16xf32>,
    %mul3A_349 = arith.mulf %gather3A_343, %gather3A_345 : vector<16xf32>
    %swap3A_350 = arith.constant 16240 : index
    %swap3A_351 = tpu.vector_load %arg9[%swap3A_350] {strides = array<i32>} : memref<16384xf32, #tpu.memory_space<vmem>>, vector<16xf32>,
    tpu.vector_store %arg9[%swap3A_350], %mul3A_349 {strides = array<i32>} : memref<16384xf32, #tpu.memory_space<vmem>>, vector<16xf32>,
    %dma_wait3A_352 = arith.constant 0 : i32
    %dma_wait3A_353 = arith.constant 0 : i32
    %dma_wait3A_354 = tpu.memref_slice %arg4[%dma_wait3A_352, %dma_wait3A_353] : memref<32x1000000xf32, #tpu.memory_space<hbm>> -> memref<32x128xf32, #tpu.memory_space<hbm>>
    %dma_wait3A_355 = arith.constant 0 : i32
    %dma_wait3A_356 = arith.constant 0 : i32
    %dma_wait3A_357 = tpu.memref_slice %arg4[%dma_wait3A_355, %dma_wait3A_356] : memref<32x1000000xf32, #tpu.memory_space<hbm>> -> memref<32x128xf32, #tpu.memory_space<hbm>>
    tpu.wait_dma2 semaphore(%arg30 : memref<!tpu.dma_semaphore, #tpu.memory_space<semaphore_mem>>) src(%dma_wait3A_357 : memref<32x128xf32, #tpu.memory_space<hbm>>) dst(%arg14 : memref<32x128xf32, #tpu.memory_space<vmem>>)
    %dma_wait3A_358 = arith.constant 0 : i32
    %dma_wait3A_359 = arith.constant 0 : i32
    %dma_wait3A_360 = tpu.memref_slice %arg5[%dma_wait3A_358, %dma_wait3A_359] : memref<32x1000000xf32, #tpu.memory_space<hbm>> -> memref<32x128xf32, #tpu.memory_space<hbm>>
    %dma_wait3A_361 = arith.constant 0 : i32
    %dma_wait3A_362 = arith.constant 0 : i32
    %dma_wait3A_363 = tpu.memref_slice %arg5[%dma_wait3A_361, %dma_wait3A_362] : memref<32x1000000xf32, #tpu.memory_space<hbm>> -> memref<32x128xf32, #tpu.memory_space<hbm>>
    tpu.wait_dma2 semaphore(%arg38 : memref<!tpu.dma_semaphore, #tpu.memory_space<semaphore_mem>>) src(%dma_wait3A_363 : memref<32x128xf32, #tpu.memory_space<hbm>>) dst(%arg22 : memref<32x128xf32, #tpu.memory_space<vmem>>)
    %get3A_364 = arith.constant 508 : index
    %get3A_365 = tpu.vector_load %arg7[%get3A_364] {strides = array<i32>} : memref<528xi32, #tpu.memory_space<vmem>>, vector<16xi32>,
    %slice3A_366 = vector.extract_strided_slice %get3A_365 {offsets = [0], sizes = [1], strides = [1]} : vector<16xi32> to vector<1xi32>
    %squeeze3A_367 = vector.extract %slice3A_366[0] : i32 from vector<1xi32>
    %and3A_368 = arith.constant 127 : i32
    %and3A_369 = arith.andi %squeeze3A_367, %and3A_368 : i32
    %get3A_370 = arith.constant 508 : index
    %get3A_371 = tpu.vector_load %arg8[%get3A_370] {strides = array<i32>} : memref<528xi32, #tpu.memory_space<vmem>>, vector<16xi32>,
    %slice3A_372 = vector.extract_strided_slice %get3A_371 {offsets = [0], sizes = [1], strides = [1]} : vector<16xi32> to vector<1xi32>
    %squeeze3A_373 = vector.extract %slice3A_372[0] : i32 from vector<1xi32>
    %and3A_374 = arith.constant 127 : i32
    %and3A_375 = arith.andi %squeeze3A_373, %and3A_374 : i32
    %broadcast_in_dim3A_376 = vector.broadcast %and3A_369 : i32 to vector<16xi32>
    %broadcast_in_dim3A_377 = vector.broadcast %and3A_375 : i32 to vector<16xi32>
    %gather3A_378 = tpu.vector_load_idx %arg14[%iota3A, %broadcast_in_dim3A_376] : memref<32x128xf32, #tpu.memory_space<vmem>>[vector<16xi32>, vector<16xi32>], vector<16xf32>,
    %gather3A_379 = tpu.vector_load_idx %arg14[%add3A_5, %broadcast_in_dim3A_376] : memref<32x128xf32, #tpu.memory_space<vmem>>[vector<16xi32>, vector<16xi32>], vector<16xf32>,
    %gather3A_380 = tpu.vector_load_idx %arg22[%iota3A, %broadcast_in_dim3A_377] : memref<32x128xf32, #tpu.memory_space<vmem>>[vector<16xi32>, vector<16xi32>], vector<16xf32>,
    %gather3A_381 = tpu.vector_load_idx %arg22[%add3A_5, %broadcast_in_dim3A_377] : memref<32x128xf32, #tpu.memory_space<vmem>>[vector<16xi32>, vector<16xi32>], vector<16xf32>,
    %mul3A_382 = arith.mulf %gather3A_378, %gather3A_380 : vector<16xf32>
    %swap3A_383 = arith.constant 16256 : index
    %swap3A_384 = tpu.vector_load %arg9[%swap3A_383] {strides = array<i32>} : memref<16384xf32, #tpu.memory_space<vmem>>, vector<16xf32>,
    tpu.vector_store %arg9[%swap3A_383], %mul3A_382 {strides = array<i32>} : memref<16384xf32, #tpu.memory_space<vmem>>, vector<16xf32>,
    %mul3A_385 = arith.mulf %gather3A_379, %gather3A_381 : vector<16xf32>
    %swap3A_386 = arith.constant 16272 : index
    %swap3A_387 = tpu.vector_load %arg9[%swap3A_386] {strides = array<i32>} : memref<16384xf32, #tpu.memory_space<vmem>>, vector<16xf32>,
    tpu.vector_store %arg9[%swap3A_386], %mul3A_385 {strides = array<i32>} : memref<16384xf32, #tpu.memory_space<vmem>>, vector<16xf32>,
    %dma_wait3A_388 = arith.constant 0 : i32
    %dma_wait3A_389 = arith.constant 0 : i32
    %dma_wait3A_390 = tpu.memref_slice %arg4[%dma_wait3A_388, %dma_wait3A_389] : memref<32x1000000xf32, #tpu.memory_space<hbm>> -> memref<32x128xf32, #tpu.memory_space<hbm>>
    %dma_wait3A_391 = arith.constant 0 : i32
    %dma_wait3A_392 = arith.constant 0 : i32
    %dma_wait3A_393 = tpu.memref_slice %arg4[%dma_wait3A_391, %dma_wait3A_392] : memref<32x1000000xf32, #tpu.memory_space<hbm>> -> memref<32x128xf32, #tpu.memory_space<hbm>>
    tpu.wait_dma2 semaphore(%arg31 : memref<!tpu.dma_semaphore, #tpu.memory_space<semaphore_mem>>) src(%dma_wait3A_393 : memref<32x128xf32, #tpu.memory_space<hbm>>) dst(%arg15 : memref<32x128xf32, #tpu.memory_space<vmem>>)
    %dma_wait3A_394 = arith.constant 0 : i32
    %dma_wait3A_395 = arith.constant 0 : i32
    %dma_wait3A_396 = tpu.memref_slice %arg5[%dma_wait3A_394, %dma_wait3A_395] : memref<32x1000000xf32, #tpu.memory_space<hbm>> -> memref<32x128xf32, #tpu.memory_space<hbm>>
    %dma_wait3A_397 = arith.constant 0 : i32
    %dma_wait3A_398 = arith.constant 0 : i32
    %dma_wait3A_399 = tpu.memref_slice %arg5[%dma_wait3A_397, %dma_wait3A_398] : memref<32x1000000xf32, #tpu.memory_space<hbm>> -> memref<32x128xf32, #tpu.memory_space<hbm>>
    tpu.wait_dma2 semaphore(%arg39 : memref<!tpu.dma_semaphore, #tpu.memory_space<semaphore_mem>>) src(%dma_wait3A_399 : memref<32x128xf32, #tpu.memory_space<hbm>>) dst(%arg23 : memref<32x128xf32, #tpu.memory_space<vmem>>)
    %get3A_400 = arith.constant 509 : index
    %get3A_401 = tpu.vector_load %arg7[%get3A_400] {strides = array<i32>} : memref<528xi32, #tpu.memory_space<vmem>>, vector<16xi32>,
    %slice3A_402 = vector.extract_strided_slice %get3A_401 {offsets = [0], sizes = [1], strides = [1]} : vector<16xi32> to vector<1xi32>
    %squeeze3A_403 = vector.extract %slice3A_402[0] : i32 from vector<1xi32>
    %and3A_404 = arith.constant 127 : i32
    %and3A_405 = arith.andi %squeeze3A_403, %and3A_404 : i32
    %get3A_406 = arith.constant 509 : index
    %get3A_407 = tpu.vector_load %arg8[%get3A_406] {strides = array<i32>} : memref<528xi32, #tpu.memory_space<vmem>>, vector<16xi32>,
    %slice3A_408 = vector.extract_strided_slice %get3A_407 {offsets = [0], sizes = [1], strides = [1]} : vector<16xi32> to vector<1xi32>
    %squeeze3A_409 = vector.extract %slice3A_408[0] : i32 from vector<1xi32>
    %and3A_410 = arith.constant 127 : i32
    %and3A_411 = arith.andi %squeeze3A_409, %and3A_410 : i32
    %broadcast_in_dim3A_412 = vector.broadcast %and3A_405 : i32 to vector<16xi32>
    %broadcast_in_dim3A_413 = vector.broadcast %and3A_411 : i32 to vector<16xi32>
    %gather3A_414 = tpu.vector_load_idx %arg15[%iota3A, %broadcast_in_dim3A_412] : memref<32x128xf32, #tpu.memory_space<vmem>>[vector<16xi32>, vector<16xi32>], vector<16xf32>,
    %gather3A_415 = tpu.vector_load_idx %arg15[%add3A_5, %broadcast_in_dim3A_412] : memref<32x128xf32, #tpu.memory_space<vmem>>[vector<16xi32>, vector<16xi32>], vector<16xf32>,
    %gather3A_416 = tpu.vector_load_idx %arg23[%iota3A, %broadcast_in_dim3A_413] : memref<32x128xf32, #tpu.memory_space<vmem>>[vector<16xi32>, vector<16xi32>], vector<16xf32>,
    %gather3A_417 = tpu.vector_load_idx %arg23[%add3A_5, %broadcast_in_dim3A_413] : memref<32x128xf32, #tpu.memory_space<vmem>>[vector<16xi32>, vector<16xi32>], vector<16xf32>,
    %mul3A_418 = arith.mulf %gather3A_414, %gather3A_416 : vector<16xf32>
    %swap3A_419 = arith.constant 16288 : index
    %swap3A_420 = tpu.vector_load %arg9[%swap3A_419] {strides = array<i32>} : memref<16384xf32, #tpu.memory_space<vmem>>, vector<16xf32>,
    tpu.vector_store %arg9[%swap3A_419], %mul3A_418 {strides = array<i32>} : memref<16384xf32, #tpu.memory_space<vmem>>, vector<16xf32>,
    %mul3A_421 = arith.mulf %gather3A_415, %gather3A_417 : vector<16xf32>
    %swap3A_422 = arith.constant 16304 : index
    %swap3A_423 = tpu.vector_load %arg9[%swap3A_422] {strides = array<i32>} : memref<16384xf32, #tpu.memory_space<vmem>>, vector<16xf32>,
    tpu.vector_store %arg9[%swap3A_422], %mul3A_421 {strides = array<i32>} : memref<16384xf32, #tpu.memory_space<vmem>>, vector<16xf32>,
    %dma_wait3A_424 = arith.constant 0 : i32
    %dma_wait3A_425 = arith.constant 0 : i32
    %dma_wait3A_426 = tpu.memref_slice %arg4[%dma_wait3A_424, %dma_wait3A_425] : memref<32x1000000xf32, #tpu.memory_space<hbm>> -> memref<32x128xf32, #tpu.memory_space<hbm>>
    %dma_wait3A_427 = arith.constant 0 : i32
    %dma_wait3A_428 = arith.constant 0 : i32
    %dma_wait3A_429 = tpu.memref_slice %arg4[%dma_wait3A_427, %dma_wait3A_428] : memref<32x1000000xf32, #tpu.memory_space<hbm>> -> memref<32x128xf32, #tpu.memory_space<hbm>>
    tpu.wait_dma2 semaphore(%arg32 : memref<!tpu.dma_semaphore, #tpu.memory_space<semaphore_mem>>) src(%dma_wait3A_429 : memref<32x128xf32, #tpu.memory_space<hbm>>) dst(%arg16 : memref<32x128xf32, #tpu.memory_space<vmem>>)
    %dma_wait3A_430 = arith.constant 0 : i32
    %dma_wait3A_431 = arith.constant 0 : i32
    %dma_wait3A_432 = tpu.memref_slice %arg5[%dma_wait3A_430, %dma_wait3A_431] : memref<32x1000000xf32, #tpu.memory_space<hbm>> -> memref<32x128xf32, #tpu.memory_space<hbm>>
    %dma_wait3A_433 = arith.constant 0 : i32
    %dma_wait3A_434 = arith.constant 0 : i32
    %dma_wait3A_435 = tpu.memref_slice %arg5[%dma_wait3A_433, %dma_wait3A_434] : memref<32x1000000xf32, #tpu.memory_space<hbm>> -> memref<32x128xf32, #tpu.memory_space<hbm>>
    tpu.wait_dma2 semaphore(%arg40 : memref<!tpu.dma_semaphore, #tpu.memory_space<semaphore_mem>>) src(%dma_wait3A_435 : memref<32x128xf32, #tpu.memory_space<hbm>>) dst(%arg24 : memref<32x128xf32, #tpu.memory_space<vmem>>)
    %get3A_436 = arith.constant 510 : index
    %get3A_437 = tpu.vector_load %arg7[%get3A_436] {strides = array<i32>} : memref<528xi32, #tpu.memory_space<vmem>>, vector<16xi32>,
    %slice3A_438 = vector.extract_strided_slice %get3A_437 {offsets = [0], sizes = [1], strides = [1]} : vector<16xi32> to vector<1xi32>
    %squeeze3A_439 = vector.extract %slice3A_438[0] : i32 from vector<1xi32>
    %and3A_440 = arith.constant 127 : i32
    %and3A_441 = arith.andi %squeeze3A_439, %and3A_440 : i32
    %get3A_442 = arith.constant 510 : index
    %get3A_443 = tpu.vector_load %arg8[%get3A_442] {strides = array<i32>} : memref<528xi32, #tpu.memory_space<vmem>>, vector<16xi32>,
    %slice3A_444 = vector.extract_strided_slice %get3A_443 {offsets = [0], sizes = [1], strides = [1]} : vector<16xi32> to vector<1xi32>
    %squeeze3A_445 = vector.extract %slice3A_444[0] : i32 from vector<1xi32>
    %and3A_446 = arith.constant 127 : i32
    %and3A_447 = arith.andi %squeeze3A_445, %and3A_446 : i32
    %broadcast_in_dim3A_448 = vector.broadcast %and3A_441 : i32 to vector<16xi32>
    %broadcast_in_dim3A_449 = vector.broadcast %and3A_447 : i32 to vector<16xi32>
    %gather3A_450 = tpu.vector_load_idx %arg16[%iota3A, %broadcast_in_dim3A_448] : memref<32x128xf32, #tpu.memory_space<vmem>>[vector<16xi32>, vector<16xi32>], vector<16xf32>,
    %gather3A_451 = tpu.vector_load_idx %arg16[%add3A_5, %broadcast_in_dim3A_448] : memref<32x128xf32, #tpu.memory_space<vmem>>[vector<16xi32>, vector<16xi32>], vector<16xf32>,
    %gather3A_452 = tpu.vector_load_idx %arg24[%iota3A, %broadcast_in_dim3A_449] : memref<32x128xf32, #tpu.memory_space<vmem>>[vector<16xi32>, vector<16xi32>], vector<16xf32>,
    %gather3A_453 = tpu.vector_load_idx %arg24[%add3A_5, %broadcast_in_dim3A_449] : memref<32x128xf32, #tpu.memory_space<vmem>>[vector<16xi32>, vector<16xi32>], vector<16xf32>,
    %mul3A_454 = arith.mulf %gather3A_450, %gather3A_452 : vector<16xf32>
    %swap3A_455 = arith.constant 16320 : index
    %swap3A_456 = tpu.vector_load %arg9[%swap3A_455] {strides = array<i32>} : memref<16384xf32, #tpu.memory_space<vmem>>, vector<16xf32>,
    tpu.vector_store %arg9[%swap3A_455], %mul3A_454 {strides = array<i32>} : memref<16384xf32, #tpu.memory_space<vmem>>, vector<16xf32>,
    %mul3A_457 = arith.mulf %gather3A_451, %gather3A_453 : vector<16xf32>
    %swap3A_458 = arith.constant 16336 : index
    %swap3A_459 = tpu.vector_load %arg9[%swap3A_458] {strides = array<i32>} : memref<16384xf32, #tpu.memory_space<vmem>>, vector<16xf32>,
    tpu.vector_store %arg9[%swap3A_458], %mul3A_457 {strides = array<i32>} : memref<16384xf32, #tpu.memory_space<vmem>>, vector<16xf32>,
    %dma_wait3A_460 = arith.constant 0 : i32
    %dma_wait3A_461 = arith.constant 0 : i32
    %dma_wait3A_462 = tpu.memref_slice %arg4[%dma_wait3A_460, %dma_wait3A_461] : memref<32x1000000xf32, #tpu.memory_space<hbm>> -> memref<32x128xf32, #tpu.memory_space<hbm>>
    %dma_wait3A_463 = arith.constant 0 : i32
    %dma_wait3A_464 = arith.constant 0 : i32
    %dma_wait3A_465 = tpu.memref_slice %arg4[%dma_wait3A_463, %dma_wait3A_464] : memref<32x1000000xf32, #tpu.memory_space<hbm>> -> memref<32x128xf32, #tpu.memory_space<hbm>>
    tpu.wait_dma2 semaphore(%arg33 : memref<!tpu.dma_semaphore, #tpu.memory_space<semaphore_mem>>) src(%dma_wait3A_465 : memref<32x128xf32, #tpu.memory_space<hbm>>) dst(%arg17 : memref<32x128xf32, #tpu.memory_space<vmem>>)
    %dma_wait3A_466 = arith.constant 0 : i32
    %dma_wait3A_467 = arith.constant 0 : i32
    %dma_wait3A_468 = tpu.memref_slice %arg5[%dma_wait3A_466, %dma_wait3A_467] : memref<32x1000000xf32, #tpu.memory_space<hbm>> -> memref<32x128xf32, #tpu.memory_space<hbm>>
    %dma_wait3A_469 = arith.constant 0 : i32
    %dma_wait3A_470 = arith.constant 0 : i32
    %dma_wait3A_471 = tpu.memref_slice %arg5[%dma_wait3A_469, %dma_wait3A_470] : memref<32x1000000xf32, #tpu.memory_space<hbm>> -> memref<32x128xf32, #tpu.memory_space<hbm>>
    tpu.wait_dma2 semaphore(%arg41 : memref<!tpu.dma_semaphore, #tpu.memory_space<semaphore_mem>>) src(%dma_wait3A_471 : memref<32x128xf32, #tpu.memory_space<hbm>>) dst(%arg25 : memref<32x128xf32, #tpu.memory_space<vmem>>)
    %get3A_472 = arith.constant 511 : index
    %get3A_473 = tpu.vector_load %arg7[%get3A_472] {strides = array<i32>} : memref<528xi32, #tpu.memory_space<vmem>>, vector<16xi32>,
    %slice3A_474 = vector.extract_strided_slice %get3A_473 {offsets = [0], sizes = [1], strides = [1]} : vector<16xi32> to vector<1xi32>
    %squeeze3A_475 = vector.extract %slice3A_474[0] : i32 from vector<1xi32>
    %and3A_476 = arith.constant 127 : i32
    %and3A_477 = arith.andi %squeeze3A_475, %and3A_476 : i32
    %get3A_478 = arith.constant 511 : index
    %get3A_479 = tpu.vector_load %arg8[%get3A_478] {strides = array<i32>} : memref<528xi32, #tpu.memory_space<vmem>>, vector<16xi32>,
    %slice3A_480 = vector.extract_strided_slice %get3A_479 {offsets = [0], sizes = [1], strides = [1]} : vector<16xi32> to vector<1xi32>
    %squeeze3A_481 = vector.extract %slice3A_480[0] : i32 from vector<1xi32>
    %and3A_482 = arith.constant 127 : i32
    %and3A_483 = arith.andi %squeeze3A_481, %and3A_482 : i32
    %broadcast_in_dim3A_484 = vector.broadcast %and3A_477 : i32 to vector<16xi32>
    %broadcast_in_dim3A_485 = vector.broadcast %and3A_483 : i32 to vector<16xi32>
    %gather3A_486 = tpu.vector_load_idx %arg17[%iota3A, %broadcast_in_dim3A_484] : memref<32x128xf32, #tpu.memory_space<vmem>>[vector<16xi32>, vector<16xi32>], vector<16xf32>,
    %gather3A_487 = tpu.vector_load_idx %arg17[%add3A_5, %broadcast_in_dim3A_484] : memref<32x128xf32, #tpu.memory_space<vmem>>[vector<16xi32>, vector<16xi32>], vector<16xf32>,
    %gather3A_488 = tpu.vector_load_idx %arg25[%iota3A, %broadcast_in_dim3A_485] : memref<32x128xf32, #tpu.memory_space<vmem>>[vector<16xi32>, vector<16xi32>], vector<16xf32>,
    %gather3A_489 = tpu.vector_load_idx %arg25[%add3A_5, %broadcast_in_dim3A_485] : memref<32x128xf32, #tpu.memory_space<vmem>>[vector<16xi32>, vector<16xi32>], vector<16xf32>,
    %mul3A_490 = arith.mulf %gather3A_486, %gather3A_488 : vector<16xf32>
    %swap3A_491 = arith.constant 16352 : index
    %swap3A_492 = tpu.vector_load %arg9[%swap3A_491] {strides = array<i32>} : memref<16384xf32, #tpu.memory_space<vmem>>, vector<16xf32>,
    tpu.vector_store %arg9[%swap3A_491], %mul3A_490 {strides = array<i32>} : memref<16384xf32, #tpu.memory_space<vmem>>, vector<16xf32>,
    %mul3A_493 = arith.mulf %gather3A_487, %gather3A_489 : vector<16xf32>
    %swap3A_494 = arith.constant 16368 : index
    %swap3A_495 = tpu.vector_load %arg9[%swap3A_494] {strides = array<i32>} : memref<16384xf32, #tpu.memory_space<vmem>>, vector<16xf32>,
    tpu.vector_store %arg9[%swap3A_494], %mul3A_493 {strides = array<i32>} : memref<16384xf32, #tpu.memory_space<vmem>>, vector<16xf32>,
    %mul3A_496 = arith.constant 16384 : i32
    %mul3A_497 = arith.muli %add3A, %mul3A_496 : i32
    "tpu.region"() ({
      %run_scoped3A = tpu.sem_alloc : memref<!tpu.dma_semaphore, #tpu.memory_space<semaphore_mem>>
      %dma_start3A_498 = tpu.memref_slice %arg6[%mul3A_497] : memref<524288xf32, #tpu.memory_space<hbm>> -> memref<16384xf32, #tpu.memory_space<hbm>>
      %dma_start3A_499 = tpu.memref_slice %arg6[%mul3A_497] : memref<524288xf32, #tpu.memory_space<hbm>> -> memref<16384xf32, #tpu.memory_space<hbm>>
      tpu.enqueue_dma source(%arg9 : memref<16384xf32, #tpu.memory_space<vmem>>) target(%dma_start3A_499 : memref<16384xf32, #tpu.memory_space<hbm>>) target_semaphore(%run_scoped3A : memref<!tpu.dma_semaphore, #tpu.memory_space<semaphore_mem>>)
      %dma_wait3A_500 = tpu.memref_slice %arg6[%mul3A_497] : memref<524288xf32, #tpu.memory_space<hbm>> -> memref<16384xf32, #tpu.memory_space<hbm>>
      %dma_wait3A_501 = tpu.memref_slice %arg6[%mul3A_497] : memref<524288xf32, #tpu.memory_space<hbm>> -> memref<16384xf32, #tpu.memory_space<hbm>>
      tpu.wait_dma2 semaphore(%run_scoped3A : memref<!tpu.dma_semaphore, #tpu.memory_space<semaphore_mem>>) src(%arg9 : memref<16384xf32, #tpu.memory_space<vmem>>) dst(%dma_wait3A_501 : memref<16384xf32, #tpu.memory_space<hbm>>)
      tpu.yield
    }) : () -> ()
    return
  }
}

module attributes {stable_mosaic.version = 14 : i64} {
  func.func @tc_mlp(%arg0: memref<4096x128xf32, #tpu.memory_space<vmem>>, %arg1: memref<128x128xf32, #tpu.memory_space<vmem>>, %arg2: memref<1x128xf32, #tpu.memory_space<vmem>>, %arg3: memref<128x4xf32, #tpu.memory_space<vmem>>, %arg4: memref<1x1xf32, #tpu.memory_space<vmem>>, %arg5: memref<4096x4xf32, #tpu.memory_space<vmem>>) attributes {dimension_semantics = [], scalar_prefetch = 0 : i64, scratch_operands = 0 : i64, tpu.core_type = #tpu.core_type<tc>} {
    %get3A = arith.constant 0 : index
    %get3A_0 = arith.constant 0 : index
    %get3A_1 = vector.load %arg0[%get3A, %get3A_0] : memref<4096x128xf32, #tpu.memory_space<vmem>>, vector<4096x128xf32>
    %get3A_2 = arith.constant 0 : index
    %get3A_3 = arith.constant 0 : index
    %get3A_4 = vector.load %arg1[%get3A_2, %get3A_3] : memref<128x128xf32, #tpu.memory_space<vmem>>, vector<128x128xf32>
    %dot_general3A = arith.constant dense<0.000000e+00> : vector<4096x128xf32>
    %dot_general3A_5 = tpu.matmul %get3A_1, %get3A_4, %dot_general3A {dimension_numbers = #tpu.dot_dimension_numbers<[1], [0], [0], [1], [0, 0, 1, 1], [], []>, transpose_lhs_hint = false} : vector<4096x128xf32>, vector<128x128xf32>, vector<4096x128xf32> -> vector<4096x128xf32>
    %get3A_6 = arith.constant 0 : index
    %get3A_7 = arith.constant 0 : index
    %get3A_8 = vector.load %arg2[%get3A_6, %get3A_7] : memref<1x128xf32, #tpu.memory_space<vmem>>, vector<1x128xf32>
    %add3A = vector.broadcast %get3A_8 : vector<1x128xf32> to vector<4096x128xf32>
    %add3A_9 = arith.addf %dot_general3A_5, %add3A : vector<4096x128xf32>
    %max3A = arith.constant 0.000000e+00 : f32
    %max3A_10 = vector.broadcast %max3A : f32 to vector<4096x128xf32>
    %max3A_11 = arith.maximumf %add3A_9, %max3A_10 : vector<4096x128xf32>
    %get3A_12 = arith.constant 0 : index
    %get3A_13 = arith.constant 0 : index
    %get3A_14 = vector.load %arg3[%get3A_12, %get3A_13] : memref<128x4xf32, #tpu.memory_space<vmem>>, vector<128x4xf32>
    %dot_general3A_15 = arith.constant dense<0.000000e+00> : vector<4096x4xf32>
    %dot_general3A_16 = tpu.matmul %max3A_11, %get3A_14, %dot_general3A_15 {dimension_numbers = #tpu.dot_dimension_numbers<[1], [0], [0], [1], [0, 0, 1, 1], [], []>, transpose_lhs_hint = false} : vector<4096x128xf32>, vector<128x4xf32>, vector<4096x4xf32> -> vector<4096x4xf32>
    %get3A_17 = arith.constant 0 : index
    %get3A_18 = arith.constant 0 : index
    %get3A_19 = vector.load %arg4[%get3A_17, %get3A_18] : memref<1x1xf32, #tpu.memory_space<vmem>>, vector<1x1xf32>
    %get3A_20 = vector.extract %get3A_19[0, 0] : f32 from vector<1x1xf32>
    %add3A_21 = vector.broadcast %get3A_20 : f32 to vector<4096x4xf32>
    %add3A_22 = arith.addf %dot_general3A_16, %add3A_21 : vector<4096x4xf32>
    %swap3A = arith.constant 0 : index
    %swap3A_23 = arith.constant 0 : index
    %swap3A_24 = vector.load %arg5[%swap3A, %swap3A_23] : memref<4096x4xf32, #tpu.memory_space<vmem>>, vector<4096x4xf32>
    tpu.vector_store %arg5[%swap3A, %swap3A_23], %add3A_22 {strides = array<i32>} : memref<4096x4xf32, #tpu.memory_space<vmem>>, vector<4096x4xf32>,
    return
  }
}

</mosaic_0001>

<sc_bundles>
// kernel: sc_gather_prod.3.cloned.1.call-start
scs
__scs_entry_jumppad:
0x0: {  	(pc) =	sbr.rel $0x88, $3  }
0x1: {  	(tag) =	ssettag $0x0;
	lr =	simm.s32 $0x1  }
0x2: {  	[smem:$0x3F99] =	sst lr;
	_ =	strace $0xD0000000  }
0x3: {  	_ = 	snop  }
0x4: {  	_ = 	snop  }
0x5: {  	_ = 	snop  }
0x6: {  	_ = 	snop  }
0x7: {  	_ = 	snop  }
__scs_overlays_trampoline_lowered:
0x8: {  	[smem:$0x3FA8] =	sst s0  }
0x9: {  	[smem:$0x3FA9] =	sst s1  }
0xa: {  	[smem:$0x3FAA] =	sst s2  }
0xb: {  	[smem:$0x3FAB] =	sst s3  }
0xc: {  	[smem:$0x3FAC] =	sst s4  }
0xd: {  	[smem:$0x3FAD] =	sst s5  }
0xe: {  	[smem:$0x3FAE] =	sst s6  }
0xf: {  	[smem:$0x3FAF] =	sst s7  }
0x10: {  	[smem:$0x3FB0] =	sst s8  }
0x11: {  	[smem:$0x3FB1] =	sst s9;
	s0 =	simm.s32 @!p0 $0x0  }
0x12: {  	s1 =	sld [smem:$0x3F97];
	s0 =	simm.s32 @p0 $0x1  }
0x13: {  	[smem:$0x3FB2] =	sst s0;
	s0 =	simm.s32 @!p1 $0x0  }
0x14: {  	s2 =	sld [smem:$0x3F96];
	s0 =	simm.s32 @p1 $0x1  }
0x15: {  	[smem:$0x3FB3] =	sst s0;
	s0 =	simm.s32 @!p2 $0x0  }
0x16: {  	s3 =	sld [smem:$0x3FDB];
	s0 =	simm.s32 @p2 $0x1  }
0x17: {  	s4 =	simm.s32 $0x1BF5;
	[smem:$0x3FB5] =	sst s0  }
0x18: {  	s0 =	sld [smem:$0x3F98];
	_ =	swait.ge [sflag:s4], $0x0  }
0x19: {  	s7 =	sld [smem:$0x3F99]  }
0x1a: {  	s8 =	sadd.s32 $0xFFFFE003, lr  }
0x1b: {  	s9 =	sadd.s32 $0xFFFFFEF7, lr;
	s5 =	simm.s32 $0xFFFFFFFF;
	p2 =	slt.u32 s8, $0xFFFFF086  }
0x1c: {  	p1 =	slt.u32 s9, $0xF7A;
	s5 =	simm.s32 @!p2 $0x0  }
0x1d: {  	s5 =	simm.s32 @p1 $0x1;
	p0 =	seq.s32 s7, s2  }
0x1e: {  	s7 =	smul.u32 @!p0 $0xF7A, s2;
	p2 =	seq.s32 @!p0 s5, $0x0  }
0x1f: {  	s9 =	smul.u32 $0xF7A, s1;
	s8 =	simm.s32 @!p0 $0x1BF5;
	p2 =	por !p2, p0  }
0x20: {  	[sflag:s8] =	ssyncset.s32 @!p0 $0xFFFFF086;
	s6 =	sadd.s32 @!p0 s3, s7;
	s7 =	simm.s32 @!p0 $0x108  }
0x21: {  	s3 =	sadd.s32 s3, s9;
	s6 =	sadd.s32 @!p0 $0x88, s6;
	s7 =	simm.s32 @p2 $0x1082  }
0x22: {  	[simem:s7], [sflag:s8] =	dma.local @!p0 [hbm:s6], $0xF7A  }
0x23: {  	s9 =	sor.u32 $0xD0000000, s2;
	s6 =	simm.s32 $0x108;
	_ =	swait.ge @!p0 [sflag:s8], $0x0  }
0x24: {  	s3 =	sadd.s32 $0x88, s3;
	s6 =	simm.s32 @!p1 $0x1082;
	[sflag:s4] =	ssyncset.s32 $0xFFFFF086  }
0x25: {  	[simem:s6], [sflag:s4] =	dma.local [hbm:s3], $0xF7A  }
0x26: {  	[smem:$0x3F99] =	sst s1;
	(tag) =	ssettag s2;
	_ =	strace s9  }
0x27: {  	s1 =	sld [smem:$0x3FA9]  }
0x28: {  	s2 =	sld [smem:$0x3FAA]  }
0x29: {  	s4 =	sld [smem:$0x3FAC]  }
0x2a: {  	p0 =	seq.s32 s5, $0x0;
	s5 =	sld [smem:$0x3FAD]  }
0x2b: {  	s6 =	sld [smem:$0x3FAE]  }
0x2c: {  	s7 =	sld [smem:$0x3FAF]  }
0x2d: {  	s3 =	simm.s32 $0x108;
	s8 =	sld [smem:$0x3FB0]  }
0x2e: {  	s3 =	simm.s32 @!p0 $0x1082;
	s9 =	sld [smem:$0x3FB1]  }
0x2f: {  	lr =	sadd.s32 s0, s3;
	s0 =	sld [smem:$0x3FA8]  }
0x30: {  	s3 =	sld [smem:$0x3FAB]  }
0x31: {  	[smem:$0x3FB4] =	sst s10  }
0x32: {  	s10 =	sld [smem:$0x3FB2];
	_ =	sdelay $0x3  }
0x33: {  	p0 =	seq.s32 s10, $0x1;
	s10 =	sld [smem:$0x3FB4];
	_ =	sdelay $0x3  }
0x34: {  	[smem:$0x3FB4] =	sst s10  }
0x35: {  	s10 =	sld [smem:$0x3FB3];
	_ =	sdelay $0x3  }
0x36: {  	p1 =	seq.s32 s10, $0x1;
	s10 =	sld [smem:$0x3FB4];
	_ =	sdelay $0x3  }
0x37: {  	[smem:$0x3FB4] =	sst s10  }
0x38: {  	s10 =	sld [smem:$0x3FB5]  }
0x39: {  	_ = 	snop;
	(pc) =	sbr.ind lr, $3  }
0x3a: {  	_ = 	snop  }
0x3b: {  	_ = 	snop  }
0x3c: {  	p2 =	seq.s32 s10, $0x1;
	s10 =	sld [smem:$0x3FB4]  }
0x3d: {  	_ =	shalt  }
0x3e: {  	_ =	shalt  }
0x3f: {  	_ =	shalt  }
0x40: {  	_ =	shalt  }
0x41: {  	_ =	shalt  }
0x42: {  	_ =	shalt  }
0x43: {  	_ =	shalt  }
0x44: {  	_ =	shalt  }
0x45: {  	_ =	shalt  }
0x46: {  	_ =	shalt  }
0x47: {  	_ =	shalt  }
0x48: {  	_ =	shalt  }
0x49: {  	_ =	shalt  }
0x4a: {  	_ =	shalt  }
0x4b: {  	_ =	shalt  }
0x4c: {  	_ =	shalt  }
0x4d: {  	_ =	shalt  }
0x4e: {  	_ =	shalt  }
0x4f: {  	_ =	shalt  }
0x50: {  	_ =	shalt  }
0x51: {  	_ =	shalt  }
0x52: {  	_ =	shalt  }
0x53: {  	_ =	shalt  }
0x54: {  	_ =	shalt  }
0x55: {  	_ =	shalt  }
0x56: {  	_ =	shalt  }
0x57: {  	_ =	shalt  }
0x58: {  	_ =	shalt  }
0x59: {  	_ =	shalt  }
0x5a: {  	_ =	shalt  }
0x5b: {  	_ =	shalt  }
0x5c: {  	_ =	shalt  }
0x5d: {  	_ =	shalt  }
0x5e: {  	_ =	shalt  }
0x5f: {  	_ =	shalt  }
0x60: {  	_ =	shalt  }
0x61: {  	_ =	shalt  }
0x62: {  	_ =	shalt  }
0x63: {  	_ =	shalt  }
0x64: {  	_ =	shalt  }
0x65: {  	_ =	shalt  }
0x66: {  	_ =	shalt  }
0x67: {  	_ =	shalt  }
0x68: {  	_ =	shalt  }
0x69: {  	_ =	shalt  }
0x6a: {  	_ =	shalt  }
0x6b: {  	_ =	shalt  }
0x6c: {  	_ =	shalt  }
0x6d: {  	_ =	shalt  }
0x6e: {  	_ =	shalt  }
0x6f: {  	_ =	shalt  }
0x70: {  	_ =	shalt  }
0x71: {  	_ =	shalt  }
0x72: {  	_ =	shalt  }
0x73: {  	_ =	shalt  }
0x74: {  	_ =	shalt  }
0x75: {  	_ =	shalt  }
0x76: {  	_ =	shalt  }
0x77: {  	_ =	shalt  }
0x78: {  	_ =	shalt  }
0x79: {  	_ =	shalt  }
0x7a: {  	_ =	shalt  }
0x7b: {  	_ =	shalt  }
0x7c: {  	_ =	shalt  }
0x7d: {  	_ =	shalt  }
0x7e: {  	_ =	shalt  }
0x7f: {  	_ =	shalt  }
0x80: {  	_ =	shalt  }
0x81: {  	_ =	shalt  }
0x82: {  	_ =	shalt  }
0x83: {  	_ =	shalt  }
0x84: {  	_ =	shalt  }
0x85: {  	_ =	shalt  }
0x86: {  	_ =	shalt  }
0x87: {  	_ =	shalt  }
.Lfunc_end0:
.L_simem_size_0:
called_computation_lowered:
.L_overlay_start_0:
0x88: {  	s2 =	sld [smem:$0x3FD9]  }
0x89: {  	s3 =	sld [smem:$0x3FFE];
	_ =	sdelay $0x1  }
0x8a: {  	s1 =	srdreg.scid  }
0x8b: {  	s0 =	sand.u32 $0x1, s1  }
0x8c: {  	s17 =	sshll.u32 s0, $0xA;
	s2 =	sadd.s32 s3, s2  }
0x8d: {  	s2 =	sadd.s32 s2, s17  }
0x8e: {  	[smem:$0x3FC0] =	sst s2  }
0x8f: {  	_ = 	snop  }
0x90: {  	s2 =	sld [smem:$0x3FC9]  }
0x91: {  	s18 =	sld [smem:$0x3FC8]  }
0x92: {  	s4 =	sld [smem:$0x3FC7]  }
0x93: {  	s5 =	sld [smem:$0x3FC6];
	(tm) =	ssettm $0x1  }
0x94: {  	s6 =	sld [smem:$0x3FFB];
	_ =	sdelay $0x3  }
0x95: {  	_ =	strace s6  }
0x96: {  	s6 =	sld [smem:$0x3FFC];
	_ =	sdelay $0x3  }
0x97: {  	_ =	strace s6  }
0x98: {  	s6 =	sld [smem:$0x3FFD];
	_ =	sdelay $0x3  }
0x99: {  	_ =	strace s6  }
0x9a: {  	_ =	strace $0x8FFFFFFF  }
0x9b: {  	s19 =	sld [smem:$0x3FDB];
	_ =	sdelay $0x1  }
0x9c: {  	s7 =	simm.s32 $_scs_section_size  }
0x9d: {  	s8 =	simm.s32 $_size__tile_overlayer_lowered;
	s9 =	simm.s32 $_tile_overlayer_lowered  }
0x9e: {  	s22 =	simm.s32 $0x1BFF;
	s21 =	sshll.u32 s9, $0x1;
	s6 =	sadd.s32 s7, s19  }
0x9f: {  	s10 =	simm.s32 $0x0;
	s20 =	sshll.u32 s8, $0x1;
	s8 =	sadd.s32 s21, s6  }
0xa0: {  	[timem:s10], [sflag:s22] =	dma.local [hbm:s8], s20  }
0xa1: {  	_ =	swait.ge [sflag:s22], s20  }
0xa2: {  	s7 =	ssub.s32 $0x0, s20;
	[sflag:s22] =	ssyncset.done $0x0  }
0xa3: {  	[sflag:s22] =	ssyncadd.s32 s7;
	_ =	sdelay $0x1  }
0xa4: {  	s23 =	simm.s32 $0x1B8B  }
0xa5: {  	_ =	swait.ge [sflag:s23], $0x1  }
0xa6: {  	[sflag:s23] =	ssyncset.done $0x0  }
0xa7: {  	s25 =	simm.s32 $0x1B8E;
	s24 =	sld [smem:$0x3FFE];
	[sflag:s23] =	ssyncadd.s32 $0xFFFFFFFF  }
0xa8: {  	s26 =	simm.s32 $execute0_lowered;
	[smem:$0x3FD2] =	sst s25  }
0xa9: {  	s8 =	sshll.u32 s26, $0x1;
	_ =	strace $0x80000046;
	[dreg:$0x1] =	wrdreg $0xFFFFFFFF  }
0xaa: {  	s28 =	simm.s32 $_size_execute0_lowered;
	s6 =	sadd.s32 s6, s8;
	[dreg:$0x0] =	wrdreg $0x0  }
0xab: {  	s8 =	sshll.u32 s28, $0x1;
	[dreg:$0x2] =	wrdreg s6  }
0xac: {  	[dreg:$0x3] =	wrdreg s8  }
0xad: {  	[dreg:$0x4] =	wrdreg $0xC0  }
0xae: {  	_ =	task [dreg:s10], $0x5FFFF  }
0xaf: {  	[dreg:$0x1] =	wrdreg $0xFFFFFFFF  }
0xb0: {  	[dreg:$0x0] =	wrdreg $0x60  }
0xb1: {  	[dreg:$0x2] =	wrdreg s2  }
0xb2: {  	[dreg:$0x3] =	wrdreg s18  }
0xb3: {  	[dreg:$0x4] =	wrdreg s4  }
0xb4: {  	[dreg:$0x5] =	wrdreg s5  }
0xb5: {  	[dreg:$0x6] =	wrdreg s24  }
0xb6: {  	[dreg:$0x7] =	wrdreg $0x9  }
0xb7: {  	_ =	task.clear_ibuf [dreg:s10], $0x8FFFF;
	_ =	strace $0x90000046  }
0xb8: {  	s29 =	simm.s32 $0x9;
	_ =	strace $0x80000048  }
0xb9: {  	_ =	swait.ge [sflag:s29], $0x1  }
0xba: {  	[sflag:s29] =	ssyncadd.s32 $0xFFFFFFFF  }
0xbb: {  	_ =	strace $0x90000048  }
0xbc: {  	_ =	sfence  }
0xbd: {  	s30 =	sld [smem:$0x0];
	_ =	sdelay $0x2  }
0xbe: {  	s31 =	sshll.u32 s1, $0xD;
	s1 =	sshrl.u32 s1, $0x2  }
0xbf: {  	s3 =	sand.u32 $0x4000, s31;
	s1 =	sadd.s32 s1, s30  }
0xc0: {  	s0 =	sor.u32 s3, s0;
	s1 =	sshll.u32 s1, $0x11  }
0xc1: {  	s0 =	sor.u32 s1, s0  }
0xc2: {  	s0 =	sadd.s32 $0x8F2B, s0  }
0xc3: {  	[sflag:s0] =	ssyncadd.remote.s32 $0x1  }
0xc4: {  	_ =	sfence.sel $0xFFFF  }
0xc5: {  	[dreg:$0x0] =	wrdreg $0xFFFFFFFF;
	(pc) =	sbr.abs _section_cstart, $3  }
0xc6: {  	[dreg:$0x1] =	wrdreg $0xFFFFFFFF  }
0xc7: {  	_ =	task.clear_ibuf [dreg:s10], $0x2FFFF;
	_ =	strace $0x9FFFFFFF  }
0xc8: {  	(tm) =	ssettm $0x7FFFFFFF  }
0xc9: {  	_ =	shalt  }
tec
execute0_lowered:
.L_overlay_start_1:
0x0: {  	(tag) =	ssettag $0x1  }
0x1: {  	s0 =	rddreg [dreg:$0x0]  }
0x2: {  	s2 =	rddreg [dreg:$0x1]  }
0x3: {  	s1 =	rddreg [dreg:$0x2]  }
0x4: {  	s3 =	rddreg [dreg:$0x3]  }
0x5: {  	s4 =	rddreg [dreg:$0x4];
	s5 =	srdreg.scid  }
0x6: {  	s6 =	stileid.u32;
	s18 =	simm.s32 $0x0;
	s20 =	simm.s32 $0x11  }
0x7: {  	s11 =	simm.s32 $0x400;
	s12 =	simm.s32 $0x7A1400;
	s22 =	simm.s32 $0x8500  }
0x8: {  	s23 =	simm.s32 $0x11500;
	s28 =	simm.s32 $0xB500;
	s29 =	simm.s32 $0x13500  }
0x9: {  	s30 =	simm.s32 $0x1;
	s31 =	simm.s32 $0x9;
	s10 =	simm.s32 $0x3  }
0xa: {  	s9 =	simm.s32 $0x6;
	s13 =	simm.s32 $0xE;
	s14 =	simm.s32 $0x7  }
0xb: {  	s15 =	simm.s32 $0xF;
	s16 =	simm.s32 $0x8;
	s17 =	simm.s32 $0x10  }
0xc: {  	s21 =	simm.s32 $0x0;
	s5 =	sand.u32 $0x1, s5;
	s6 =	sshll.u32 s6, $0x1  }
0xd: {  	[smem:$0x7FF] =	sst s18;
	s6 =	sor.u32 s5, s6;
	s5 =	ssub.s32 $0x2, s5  }
0xe: {  	_ =	strace $0x80000047;
	s7 =	sshll.u32 s6, $0xB;
	s8 =	sshrl.u32 s5, $0x1  }
0xf: {  	s6 =	sshll.u32 s6, $0x6;
	s4 =	sadd.s32 s7, s4;
	s5 =	ssub.s32 s5, s8  }
0x10: {  	s0 =	sadd.s32 s0, s6;
	s24 =	sadd.s32 s2, s6;
	s2 =	simm.s32 $0xA  }
0x11: {  	s6 =	simm.s32 $0x4;
	s7 =	simm.s32 $0xC;
	[dreg:$0x6] =	wrdreg s0  }
0x12: {  	v0 =	vlaneseq.u32;
	s8 =	simm.s32 $0x5;
	[dreg:$0x7] =	wrdreg s24;
	s25 =	sadd.s32 $0xC00, s4  }
0x13: {  	v0 =	vmul.u32 $0x80, v0;
	s26 =	smax.u32 s5, $0x1;
	s24 =	simm.s32 $0x9500;
	s0 =	simm.s32 $0x2  }
0x14: {  	s5 =	simm.s32 $0xB;
	s4 =	simm.s32 $0xD;
	[dreg:$0x8] =	wrdreg s25  }
0x15: {  	v1 =	vor.u32 $0x800, v0;
	[dreg:$0x9] =	wrdreg s26;
	s25 =	simm.s32 $0xA500;
	s26 =	simm.s32 $0x12500  }
.LBB2_1:
0x16: {  	[dreg:$0xa] =	wrdreg s21  }
0x17: {  	s19 =	rddreg [dreg:$0x6]  }
0x18: {  	[tilespmem:s18], [sflag:$0x11] =	stream.linear.gather [hbm4b:s19+s18], $0x200, $0x38;
	[tilespmem:$0x14500] =	vst v63  }
0x19: {  	_ =	swait.ge [sflag:s20], $0x200  }
0x1a: {  	[sflag:s20] =	ssyncset.done $0x0  }
0x1b: {  	s21 =	simm.s32 $0x280;
	s19 =	rddreg [dreg:$0x7];
	[sflag:s20] =	ssyncadd.s32 $0xFFFFFE00  }
0x1c: {  	[tilespmem:s21], [sflag:$0x11] =	stream.linear.gather [hbm4b:s19+s18], $0x200, $0x38;
	[tilespmem:$0x14500] =	vst v63  }
0x1d: {  	_ =	swait.ge [sflag:s20], $0x200  }
0x1e: {  	[sflag:s20] =	ssyncset.done $0x0  }
0x1f: {  	[sflag:s20] =	ssyncadd.s32 $0xFFFFFE00  }
0x20: {  	v2 =	vld [tilespmem:$0x0];
	_ =	sdelay $0x1  }
0x21: {  	v3 =	vld [tilespmem:$0x280];
	_ =	sdelay $0x2  }
0x22: {  	(v2sf) =	vpush v2, $0x0;
	_ =	sdelay $0x1  }
0x23: {  	(v2sf) =	vpush v3, $0x0;
	_ =	sdelay $0xc  }
0x24: {  	s20 =	spop (v2sf)  }
0x25: {  	s18 =	sand.u32 $0xFFFFF80, s20  }
0x26: {  	s21 =	simm.s32 $0x4500;
	s20 =	spop (v2sf);
	s18 =	sadd.s32 s1, s18  }
0x27: {  	[tilespmem:s21], [sflag:$0x1] =	stream.strided.gather [hbm4b:s18+s11], $0x1000, s12, s11, $0x38;
	[tilespmem:$0x14500] =	vst v63  }
0x28: {  	s18 =	sand.u32 $0xFFFFF80, s20  }
0x29: {  	s21 =	simm.s32 $0xC500;
	s18 =	sadd.s32 s3, s18  }
0x2a: {  	[tilespmem:s21], [sflag:$0x9] =	stream.strided.gather [hbm4b:s18+s11], $0x1000, s12, s11, $0x38;
	[tilespmem:$0x14500] =	vst v63  }
0x2b: {  	v2 =	vld [tilespmem:$0x1];
	_ =	sdelay $0x1  }
0x2c: {  	v3 =	vld [tilespmem:$0x281];
	_ =	sdelay $0x2  }
0x2d: {  	(v2sf) =	vpush v2, $0x0;
	_ =	sdelay $0x1  }
0x2e: {  	(v2sf) =	vpush v3, $0x0;
	_ =	sdelay $0xc  }
0x2f: {  	s20 =	spop (v2sf)  }
0x30: {  	s18 =	sand.u32 $0xFFFFF80, s20  }
0x31: {  	s21 =	simm.s32 $0x5500;
	s20 =	spop (v2sf);
	s18 =	sadd.s32 s1, s18  }
0x32: {  	[tilespmem:s21], [sflag:$0x2] =	stream.strided.gather [hbm4b:s18+s11], $0x1000, s12, s11, $0x38;
	[tilespmem:$0x14500] =	vst v63  }
0x33: {  	s18 =	sand.u32 $0xFFFFF80, s20  }
0x34: {  	s21 =	simm.s32 $0xD500;
	s18 =	sadd.s32 s3, s18  }
0x35: {  	[tilespmem:s21], [sflag:$0xA] =	stream.strided.gather [hbm4b:s18+s11], $0x1000, s12, s11, $0x38;
	[tilespmem:$0x14500] =	vst v63  }
0x36: {  	v2 =	vld [tilespmem:$0x2];
	_ =	sdelay $0x1  }
0x37: {  	v3 =	vld [tilespmem:$0x282];
	_ =	sdelay $0x2  }
0x38: {  	(v2sf) =	vpush v2, $0x0;
	_ =	sdelay $0x1  }
0x39: {  	(v2sf) =	vpush v3, $0x0;
	_ =	sdelay $0xc  }
0x3a: {  	s20 =	spop (v2sf)  }
0x3b: {  	s18 =	sand.u32 $0xFFFFF80, s20  }
0x3c: {  	s21 =	simm.s32 $0x6500;
	s20 =	spop (v2sf);
	s18 =	sadd.s32 s1, s18  }
0x3d: {  	[tilespmem:s21], [sflag:$0x3] =	stream.strided.gather [hbm4b:s18+s11], $0x1000, s12, s11, $0x38;
	[tilespmem:$0x14500] =	vst v63  }
0x3e: {  	s18 =	sand.u32 $0xFFFFF80, s20  }
0x3f: {  	s21 =	simm.s32 $0xE500;
	s18 =	sadd.s32 s3, s18  }
0x40: {  	[tilespmem:s21], [sflag:$0xB] =	stream.strided.gather [hbm4b:s18+s11], $0x1000, s12, s11, $0x38;
	[tilespmem:$0x14500] =	vst v63  }
0x41: {  	v2 =	vld [tilespmem:$0x3];
	_ =	sdelay $0x1  }
0x42: {  	v3 =	vld [tilespmem:$0x283];
	_ =	sdelay $0x2  }
0x43: {  	(v2sf) =	vpush v2, $0x0;
	_ =	sdelay $0x1  }
0x44: {  	(v2sf) =	vpush v3, $0x0;
	_ =	sdelay $0xc  }
0x45: {  	s20 =	spop (v2sf)  }
0x46: {  	s18 =	sand.u32 $0xFFFFF80, s20  }
0x47: {  	s21 =	simm.s32 $0x7500;
	s20 =	spop (v2sf);
	s18 =	sadd.s32 s1, s18  }
0x48: {  	[tilespmem:s21], [sflag:$0x4] =	stream.strided.gather [hbm4b:s18+s11], $0x1000, s12, s11, $0x38;
	[tilespmem:$0x14500] =	vst v63  }
0x49: {  	s18 =	sand.u32 $0xFFFFF80, s20  }
0x4a: {  	s21 =	simm.s32 $0xF500;
	s18 =	sadd.s32 s3, s18  }
0x4b: {  	[tilespmem:s21], [sflag:$0xC] =	stream.strided.gather [hbm4b:s18+s11], $0x1000, s12, s11, $0x38;
	[tilespmem:$0x14500] =	vst v63  }
0x4c: {  	v2 =	vld [tilespmem:$0x4];
	_ =	sdelay $0x1  }
0x4d: {  	v3 =	vld [tilespmem:$0x284];
	_ =	sdelay $0x2  }
0x4e: {  	(v2sf) =	vpush v2, $0x0;
	_ =	sdelay $0x1  }
0x4f: {  	(v2sf) =	vpush v3, $0x0;
	_ =	sdelay $0xc  }
0x50: {  	s20 =	spop (v2sf)  }
0x51: {  	s18 =	sand.u32 $0xFFFFF80, s20  }
0x52: {  	s21 =	spop (v2sf);
	s18 =	sadd.s32 s1, s18  }
0x53: {  	[tilespmem:s22], [sflag:$0x5] =	stream.strided.gather [hbm4b:s18+s11], $0x1000, s12, s11, $0x38;
	[tilespmem:$0x14500] =	vst v63  }
0x54: {  	s18 =	sand.u32 $0xFFFFF80, s21  }
0x55: {  	s22 =	simm.s32 $0x10500;
	s18 =	sadd.s32 s3, s18  }
0x56: {  	[tilespmem:s22], [sflag:$0xD] =	stream.strided.gather [hbm4b:s18+s11], $0x1000, s12, s11, $0x38;
	[tilespmem:$0x14500] =	vst v63  }
0x57: {  	v2 =	vld [tilespmem:$0x5];
	_ =	sdelay $0x1  }
0x58: {  	v3 =	vld [tilespmem:$0x285];
	_ =	sdelay $0x2  }
0x59: {  	(v2sf) =	vpush v2, $0x0;
	_ =	sdelay $0x1  }
0x5a: {  	(v2sf) =	vpush v3, $0x0;
	_ =	sdelay $0xc  }
0x5b: {  	s19 =	spop (v2sf)  }
0x5c: {  	s18 =	sand.u32 $0xFFFFF80, s19  }
0x5d: {  	s20 =	spop (v2sf);
	s18 =	sadd.s32 s1, s18  }
0x5e: {  	[tilespmem:s24], [sflag:$0x6] =	stream.strided.gather [hbm4b:s18+s11], $0x1000, s12, s11, $0x38;
	[tilespmem:$0x14500] =	vst v63  }
0x5f: {  	s18 =	sand.u32 $0xFFFFF80, s20  }
0x60: {  	s18 =	sadd.s32 s3, s18  }
0x61: {  	[tilespmem:s23], [sflag:$0xE] =	stream.strided.gather [hbm4b:s18+s11], $0x1000, s12, s11, $0x38;
	[tilespmem:$0x14500] =	vst v63  }
0x62: {  	v2 =	vld [tilespmem:$0x6];
	_ =	sdelay $0x1  }
0x63: {  	v3 =	vld [tilespmem:$0x286];
	_ =	sdelay $0x2  }
0x64: {  	(v2sf) =	vpush v2, $0x0;
	_ =	sdelay $0x1  }
0x65: {  	(v2sf) =	vpush v3, $0x0;
	_ =	sdelay $0xc  }
0x66: {  	s21 =	spop (v2sf)  }
0x67: {  	s18 =	sand.u32 $0xFFFFF80, s21  }
0x68: {  	s22 =	spop (v2sf);
	s18 =	sadd.s32 s1, s18  }
0x69: {  	[tilespmem:s25], [sflag:$0x7] =	stream.strided.gather [hbm4b:s18+s11], $0x1000, s12, s11, $0x38;
	[tilespmem:$0x14500] =	vst v63  }
0x6a: {  	s18 =	sand.u32 $0xFFFFF80, s22  }
0x6b: {  	s18 =	sadd.s32 s3, s18  }
0x6c: {  	[tilespmem:s26], [sflag:$0xF] =	stream.strided.gather [hbm4b:s18+s11], $0x1000, s12, s11, $0x38;
	[tilespmem:$0x14500] =	vst v63  }
0x6d: {  	v2 =	vld [tilespmem:$0x7];
	_ =	sdelay $0x1  }
0x6e: {  	v3 =	vld [tilespmem:$0x287];
	_ =	sdelay $0x2  }
0x6f: {  	(v2sf) =	vpush v2, $0x0;
	_ =	sdelay $0x1  }
0x70: {  	(v2sf) =	vpush v3, $0x0;
	_ =	sdelay $0xc  }
0x71: {  	s23 =	spop (v2sf)  }
0x72: {  	s18 =	sand.u32 $0xFFFFF80, s23  }
0x73: {  	s24 =	spop (v2sf);
	s18 =	sadd.s32 s1, s18  }
0x74: {  	[tilespmem:s28], [sflag:$0x8] =	stream.strided.gather [hbm4b:s18+s11], $0x1000, s12, s11, $0x38;
	[tilespmem:$0x14500] =	vst v63  }
0x75: {  	s18 =	sand.u32 $0xFFFFF80, s24  }
0x76: {  	s19 =	simm.s32 $0x288;
	s18 =	sadd.s32 s3, s18  }
0x77: {  	[tilespmem:s29], [sflag:$0x10] =	stream.strided.gather [hbm4b:s18+s11], $0x1000, s12, s11, $0x38;
	[tilespmem:$0x14500] =	vst v63  }
0x78: {  	s20 =	simm.s32 $0x580;
	s21 =	simm.s32 $0x8;
	s18 =	simm.s32 $0xC0  }
.LBB2_2:
0x79: {  	_ =	swait.ge [sflag:s30], $0x1000  }
0x7a: {  	[sflag:s30] =	ssyncset.done $0x0  }
0x7b: {  	[sflag:s30] =	ssyncadd.s32 $0xFFFFF000  }
0x7c: {  	_ =	swait.ge [sflag:s31], $0x1000  }
0x7d: {  	[sflag:s31] =	ssyncset.done $0x0  }
0x7e: {  	[sflag:s31] =	ssyncadd.s32 $0xFFFFF000  }
0x7f: {  	v2 =	vld [tilespmem:s21+$0xFFFFFFF8];
	_ =	sdelay $0x1  }
0x80: {  	v3 =	vld [tilespmem:s19+$0xFFFFFFF8];
	_ =	sdelay $0x2  }
0x81: {  	(v2sf) =	vpush v2, $0x0;
	_ =	sdelay $0x1  }
0x82: {  	(v2sf) =	vpush v3, $0x0;
	_ =	sdelay $0xc  }
0x83: {  	s22 =	spop (v2sf)  }
0x84: {  	s22 =	sand.u32 $0x7F, s22  }
0x85: {  	s23 =	spop (v2sf);
	v2 =	vor.u32 s22, v0  }
0x86: {  	s23 =	sand.u32 $0x7F, s23;
	v3 =	vor.u32 s22, v1  }
0x87: {  	v4 =	vor.u32 s23, v0  }
0x88: {  	v5 =	vor.u32 s23, v1  }
0x89: {  	s23 =	simm.s32 $0x4500  }
0x8a: {  	v2 =	vld.idx.msk [tilespmem:v2+s23+$0x0], $0xffff  }
0x8b: {  	s24 =	simm.s32 $0xC500;
	v3 =	vld.idx.msk [tilespmem:v3+s23+$0x0], $0xffff  }
0x8c: {  	v4 =	vld.idx.msk [tilespmem:v4+s24+$0x0], $0xffff  }
0x8d: {  	v5 =	vld.idx.msk [tilespmem:v5+s24+$0x0], $0xffff;
	_ =	sdelay $0x3  }
0x8e: {  	v2 =	vmul.f32 v4, v2  }
0x8f: {  	v3 =	vmul.f32 v5, v3  }
0x90: {  	[tilespmem:s20+$0xFFFFFF80] =	vst v2  }
0x91: {  	[tilespmem:s20+$0xFFFFFF90] =	vst v3  }
0x92: {  	v2 =	vld [tilespmem:s21+$0x0];
	_ =	sdelay $0x3  }
0x93: {  	v3 =	vld [tilespmem:s19+$0x0]  }
0x94: {  	(v2sf) =	vpush v2, $0x0;
	_ =	sdelay $0x3  }
0x95: {  	(v2sf) =	vpush v3, $0x0;
	_ =	sdelay $0xa  }
0x96: {  	s22 =	spop (v2sf)  }
0x97: {  	s22 =	sand.u32 $0xFFFFF80, s22  }
0x98: {  	s22 =	sadd.s32 s1, s22  }
0x99: {  	[tilespmem:s23], [sflag:$0x1] =	stream.strided.gather [hbm4b:s22+s11], $0x1000, s12, s11, $0x38;
	[tilespmem:$0x14500] =	vst v63  }
0x9a: {  	s23 =	spop (v2sf)  }
0x9b: {  	s22 =	sand.u32 $0xFFFFF80, s23  }
0x9c: {  	s22 =	sadd.s32 s3, s22  }
0x9d: {  	[tilespmem:s24], [sflag:$0x9] =	stream.strided.gather [hbm4b:s22+s11], $0x1000, s12, s11, $0x38;
	[tilespmem:$0x14500] =	vst v63  }
0x9e: {  	_ =	swait.ge [sflag:s0], $0x1000  }
0x9f: {  	[sflag:s0] =	ssyncset.done $0x0  }
0xa0: {  	[sflag:s0] =	ssyncadd.s32 $0xFFFFF000  }
0xa1: {  	_ =	swait.ge [sflag:s2], $0x1000  }
0xa2: {  	[sflag:s2] =	ssyncset.done $0x0  }
0xa3: {  	[sflag:s2] =	ssyncadd.s32 $0xFFFFF000  }
0xa4: {  	v2 =	vld [tilespmem:s21+$0xFFFFFFF9];
	_ =	sdelay $0x1  }
0xa5: {  	v3 =	vld [tilespmem:s19+$0xFFFFFFF9];
	_ =	sdelay $0x2  }
0xa6: {  	(v2sf) =	vpush v2, $0x0;
	_ =	sdelay $0x1  }
0xa7: {  	(v2sf) =	vpush v3, $0x0;
	_ =	sdelay $0xc  }
0xa8: {  	s23 =	spop (v2sf)  }
0xa9: {  	s22 =	sand.u32 $0x7F, s23  }
0xaa: {  	s24 =	spop (v2sf);
	v2 =	vor.u32 s22, v0  }
0xab: {  	s23 =	sand.u32 $0x7F, s24;
	v3 =	vor.u32 s22, v1  }
0xac: {  	v50 =	vor.u32 s23, v0  }
0xad: {  	v51 =	vor.u32 s23, v1  }
0xae: {  	s23 =	simm.s32 $0x5500  }
0xaf: {  	v2 =	vld.idx.msk [tilespmem:v2+s23+$0x0], $0xffff  }
0xb0: {  	s24 =	simm.s32 $0xD500;
	v3 =	vld.idx.msk [tilespmem:v3+s23+$0x0], $0xffff  }
0xb1: {  	v4 =	vld.idx.msk [tilespmem:v50+s24+$0x0], $0xffff  }
0xb2: {  	v5 =	vld.idx.msk [tilespmem:v51+s24+$0x0], $0xffff;
	_ =	sdelay $0x3  }
0xb3: {  	v2 =	vmul.f32 v4, v2  }
0xb4: {  	s22 =	sadd.s32 $0xFFFFFF60, s18;
	v3 =	vmul.f32 v5, v3  }
0xb5: {  	s22 =	sor.u32 $0x30, s22;
	[tilespmem:s20+$0xFFFFFFA0] =	vst v2  }
0xb6: {  	[tilespmem:s22+$0x500] =	vst v3  }
0xb7: {  	v2 =	vld [tilespmem:s21+$0x1];
	_ =	sdelay $0x3  }
0xb8: {  	v3 =	vld [tilespmem:s19+$0x1]  }
0xb9: {  	(v2sf) =	vpush v2, $0x0;
	_ =	sdelay $0x3  }
0xba: {  	(v2sf) =	vpush v3, $0x0;
	_ =	sdelay $0xa  }
0xbb: {  	s22 =	spop (v2sf)  }
0xbc: {  	s22 =	sand.u32 $0xFFFFF80, s22  }
0xbd: {  	s22 =	sadd.s32 s1, s22  }
0xbe: {  	[tilespmem:s23], [sflag:$0x2] =	stream.strided.gather [hbm4b:s22+s11], $0x1000, s12, s11, $0x38;
	[tilespmem:$0x14500] =	vst v63  }
0xbf: {  	s23 =	spop (v2sf)  }
0xc0: {  	s22 =	sand.u32 $0xFFFFF80, s23  }
0xc1: {  	s22 =	sadd.s32 s3, s22  }
0xc2: {  	[tilespmem:s24], [sflag:$0xA] =	stream.strided.gather [hbm4b:s22+s11], $0x1000, s12, s11, $0x38;
	[tilespmem:$0x14500] =	vst v63  }
0xc3: {  	_ =	swait.ge [sflag:s10], $0x1000  }
0xc4: {  	[sflag:s10] =	ssyncset.done $0x0  }
0xc5: {  	[sflag:s10] =	ssyncadd.s32 $0xFFFFF000  }
0xc6: {  	_ =	swait.ge [sflag:s5], $0x1000  }
0xc7: {  	[sflag:s5] =	ssyncset.done $0x0  }
0xc8: {  	[sflag:s5] =	ssyncadd.s32 $0xFFFFF000  }
0xc9: {  	v2 =	vld [tilespmem:s21+$0xFFFFFFFA];
	_ =	sdelay $0x1  }
0xca: {  	v3 =	vld [tilespmem:s19+$0xFFFFFFFA];
	_ =	sdelay $0x2  }
0xcb: {  	(v2sf) =	vpush v2, $0x0;
	_ =	sdelay $0x1  }
0xcc: {  	(v2sf) =	vpush v3, $0x0;
	_ =	sdelay $0xc  }
0xcd: {  	s23 =	spop (v2sf)  }
0xce: {  	s22 =	sand.u32 $0x7F, s23  }
0xcf: {  	s24 =	spop (v2sf);
	v2 =	vor.u32 s22, v0  }
0xd0: {  	s23 =	sand.u32 $0x7F, s24;
	v3 =	vor.u32 s22, v1  }
0xd1: {  	v52 =	vor.u32 s23, v0  }
0xd2: {  	v53 =	vor.u32 s23, v1  }
0xd3: {  	s23 =	simm.s32 $0x6500  }
0xd4: {  	v2 =	vld.idx.msk [tilespmem:v2+s23+$0x0], $0xffff  }
0xd5: {  	s24 =	simm.s32 $0xE500;
	v3 =	vld.idx.msk [tilespmem:v3+s23+$0x0], $0xffff  }
0xd6: {  	v4 =	vld.idx.msk [tilespmem:v52+s24+$0x0], $0xffff  }
0xd7: {  	v5 =	vld.idx.msk [tilespmem:v53+s24+$0x0], $0xffff;
	_ =	sdelay $0x3  }
0xd8: {  	v2 =	vmul.f32 v4, v2  }
0xd9: {  	s22 =	sadd.s32 $0xFFFFFF80, s18;
	v3 =	vmul.f32 v5, v3  }
0xda: {  	s22 =	sor.u32 $0x50, s22;
	[tilespmem:s20+$0xFFFFFFC0] =	vst v2  }
0xdb: {  	[tilespmem:s22+$0x500] =	vst v3  }
0xdc: {  	v2 =	vld [tilespmem:s21+$0x2];
	_ =	sdelay $0x3  }
0xdd: {  	v3 =	vld [tilespmem:s19+$0x2]  }
0xde: {  	(v2sf) =	vpush v2, $0x0;
	_ =	sdelay $0x3  }
0xdf: {  	(v2sf) =	vpush v3, $0x0;
	_ =	sdelay $0xa  }
0xe0: {  	s22 =	spop (v2sf)  }
0xe1: {  	s22 =	sand.u32 $0xFFFFF80, s22  }
0xe2: {  	s22 =	sadd.s32 s1, s22  }
0xe3: {  	[tilespmem:s23], [sflag:$0x3] =	stream.strided.gather [hbm4b:s22+s11], $0x1000, s12, s11, $0x38;
	[tilespmem:$0x14500] =	vst v63  }
0xe4: {  	s23 =	spop (v2sf)  }
0xe5: {  	s22 =	sand.u32 $0xFFFFF80, s23  }
0xe6: {  	s22 =	sadd.s32 s3, s22  }
0xe7: {  	[tilespmem:s24], [sflag:$0xB] =	stream.strided.gather [hbm4b:s22+s11], $0x1000, s12, s11, $0x38;
	[tilespmem:$0x14500] =	vst v63  }
0xe8: {  	_ =	swait.ge [sflag:s6], $0x1000  }
0xe9: {  	[sflag:s6] =	ssyncset.done $0x0  }
0xea: {  	[sflag:s6] =	ssyncadd.s32 $0xFFFFF000  }
0xeb: {  	_ =	swait.ge [sflag:s7], $0x1000  }
0xec: {  	[sflag:s7] =	ssyncset.done $0x0  }
0xed: {  	[sflag:s7] =	ssyncadd.s32 $0xFFFFF000  }
0xee: {  	v2 =	vld [tilespmem:s21+$0xFFFFFFFB];
	_ =	sdelay $0x1  }
0xef: {  	v3 =	vld [tilespmem:s19+$0xFFFFFFFB];
	_ =	sdelay $0x2  }
0xf0: {  	(v2sf) =	vpush v2, $0x0;
	_ =	sdelay $0x1  }
0xf1: {  	(v2sf) =	vpush v3, $0x0;
	_ =	sdelay $0xc  }
0xf2: {  	s23 =	spop (v2sf)  }
0xf3: {  	s22 =	sand.u32 $0x7F, s23  }
0xf4: {  	s24 =	spop (v2sf);
	v2 =	vor.u32 s22, v0  }
0xf5: {  	s23 =	sand.u32 $0x7F, s24;
	v3 =	vor.u32 s22, v1  }
0xf6: {  	v54 =	vor.u32 s23, v0  }
0xf7: {  	v55 =	vor.u32 s23, v1  }
0xf8: {  	s23 =	simm.s32 $0x7500  }
0xf9: {  	v2 =	vld.idx.msk [tilespmem:v2+s23+$0x0], $0xffff  }
0xfa: {  	s24 =	simm.s32 $0xF500;
	v3 =	vld.idx.msk [tilespmem:v3+s23+$0x0], $0xffff  }
0xfb: {  	v4 =	vld.idx.msk [tilespmem:v54+s24+$0x0], $0xffff  }
0xfc: {  	v5 =	vld.idx.msk [tilespmem:v55+s24+$0x0], $0xffff;
	_ =	sdelay $0x3  }
0xfd: {  	v2 =	vmul.f32 v4, v2  }
0xfe: {  	s22 =	sadd.s32 $0xFFFFFFA0, s18;
	v3 =	vmul.f32 v5, v3  }
0xff: {  	s22 =	sor.u32 $0x70, s22;
	[tilespmem:s20+$0xFFFFFFE0] =	vst v2  }
0x100: {  	[tilespmem:s22+$0x500] =	vst v3  }
0x101: {  	v2 =	vld [tilespmem:s21+$0x3];
	_ =	sdelay $0x3  }
0x102: {  	v3 =	vld [tilespmem:s19+$0x3]  }
0x103: {  	(v2sf) =	vpush v2, $0x0;
	_ =	sdelay $0x3  }
0x104: {  	(v2sf) =	vpush v3, $0x0;
	_ =	sdelay $0xa  }
0x105: {  	s22 =	spop (v2sf)  }
0x106: {  	s22 =	sand.u32 $0xFFFFF80, s22  }
0x107: {  	s22 =	sadd.s32 s1, s22  }
0x108: {  	[tilespmem:s23], [sflag:$0x4] =	stream.strided.gather [hbm4b:s22+s11], $0x1000, s12, s11, $0x38;
	[tilespmem:$0x14500] =	vst v63  }
0x109: {  	s23 =	spop (v2sf)  }
0x10a: {  	s22 =	sand.u32 $0xFFFFF80, s23  }
0x10b: {  	s22 =	sadd.s32 s3, s22  }
0x10c: {  	[tilespmem:s24], [sflag:$0xC] =	stream.strided.gather [hbm4b:s22+s11], $0x1000, s12, s11, $0x38;
	[tilespmem:$0x14500] =	vst v63  }
0x10d: {  	_ =	swait.ge [sflag:s8], $0x1000  }
0x10e: {  	[sflag:s8] =	ssyncset.done $0x0  }
0x10f: {  	[sflag:s8] =	ssyncadd.s32 $0xFFFFF000  }
0x110: {  	_ =	swait.ge [sflag:s4], $0x1000  }
0x111: {  	[sflag:s4] =	ssyncset.done $0x0  }
0x112: {  	[sflag:s4] =	ssyncadd.s32 $0xFFFFF000  }
0x113: {  	v2 =	vld [tilespmem:s21+$0xFFFFFFFC];
	_ =	sdelay $0x1  }
0x114: {  	v3 =	vld [tilespmem:s19+$0xFFFFFFFC];
	_ =	sdelay $0x2  }
0x115: {  	(v2sf) =	vpush v2, $0x0;
	_ =	sdelay $0x1  }
0x116: {  	(v2sf) =	vpush v3, $0x0;
	_ =	sdelay $0xc  }
0x117: {  	s23 =	spop (v2sf)  }
0x118: {  	s22 =	sand.u32 $0x7F, s23  }
0x119: {  	s24 =	spop (v2sf);
	v2 =	vor.u32 s22, v0  }
0x11a: {  	s23 =	sand.u32 $0x7F, s24;
	v3 =	vor.u32 s22, v1  }
0x11b: {  	v56 =	vor.u32 s23, v0  }
0x11c: {  	v57 =	vor.u32 s23, v1  }
0x11d: {  	s23 =	simm.s32 $0x8500  }
0x11e: {  	v2 =	vld.idx.msk [tilespmem:v2+s23+$0x0], $0xffff  }
0x11f: {  	s24 =	simm.s32 $0x10500;
	v3 =	vld.idx.msk [tilespmem:v3+s23+$0x0], $0xffff  }
0x120: {  	v4 =	vld.idx.msk [tilespmem:v56+s24+$0x0], $0xffff  }
0x121: {  	v5 =	vld.idx.msk [tilespmem:v57+s24+$0x0], $0xffff;
	_ =	sdelay $0x3  }
0x122: {  	v2 =	vmul.f32 v4, v2  }
0x123: {  	v3 =	vmul.f32 v5, v3  }
0x124: {  	[tilespmem:s20+$0x0] =	vst v2  }
0x125: {  	[tilespmem:s20+$0x10] =	vst v3  }
0x126: {  	v2 =	vld [tilespmem:s21+$0x4];
	_ =	sdelay $0x3  }
0x127: {  	v3 =	vld [tilespmem:s19+$0x4]  }
0x128: {  	(v2sf) =	vpush v2, $0x0;
	_ =	sdelay $0x3  }
0x129: {  	(v2sf) =	vpush v3, $0x0;
	_ =	sdelay $0xa  }
0x12a: {  	s22 =	spop (v2sf)  }
0x12b: {  	s22 =	sand.u32 $0xFFFFF80, s22  }
0x12c: {  	s22 =	sadd.s32 s1, s22  }
0x12d: {  	[tilespmem:s23], [sflag:$0x5] =	stream.strided.gather [hbm4b:s22+s11], $0x1000, s12, s11, $0x38;
	[tilespmem:$0x14500] =	vst v63  }
0x12e: {  	s23 =	spop (v2sf)  }
0x12f: {  	s22 =	sand.u32 $0xFFFFF80, s23  }
0x130: {  	s22 =	sadd.s32 s3, s22  }
0x131: {  	[tilespmem:s24], [sflag:$0xD] =	stream.strided.gather [hbm4b:s22+s11], $0x1000, s12, s11, $0x38;
	[tilespmem:$0x14500] =	vst v63  }
0x132: {  	_ =	swait.ge [sflag:s9], $0x1000  }
0x133: {  	[sflag:s9] =	ssyncset.done $0x0  }
0x134: {  	[sflag:s9] =	ssyncadd.s32 $0xFFFFF000  }
0x135: {  	_ =	swait.ge [sflag:s13], $0x1000  }
0x136: {  	[sflag:s13] =	ssyncset.done $0x0  }
0x137: {  	[sflag:s13] =	ssyncadd.s32 $0xFFFFF000  }
0x138: {  	v2 =	vld [tilespmem:s21+$0xFFFFFFFD];
	_ =	sdelay $0x1  }
0x139: {  	v3 =	vld [tilespmem:s19+$0xFFFFFFFD];
	_ =	sdelay $0x2  }
0x13a: {  	(v2sf) =	vpush v2, $0x0;
	_ =	sdelay $0x1  }
0x13b: {  	(v2sf) =	vpush v3, $0x0;
	_ =	sdelay $0xc  }
0x13c: {  	s23 =	spop (v2sf)  }
0x13d: {  	s22 =	sand.u32 $0x7F, s23  }
0x13e: {  	s24 =	spop (v2sf);
	v2 =	vor.u32 s22, v0  }
0x13f: {  	s23 =	sand.u32 $0x7F, s24;
	v3 =	vor.u32 s22, v1  }
0x140: {  	v58 =	vor.u32 s23, v0  }
0x141: {  	v59 =	vor.u32 s23, v1  }
0x142: {  	s23 =	simm.s32 $0x9500  }
0x143: {  	v2 =	vld.idx.msk [tilespmem:v2+s23+$0x0], $0xffff  }
0x144: {  	s24 =	simm.s32 $0x11500;
	v3 =	vld.idx.msk [tilespmem:v3+s23+$0x0], $0xffff  }
0x145: {  	v4 =	vld.idx.msk [tilespmem:v58+s24+$0x0], $0xffff  }
0x146: {  	v5 =	vld.idx.msk [tilespmem:v59+s24+$0x0], $0xffff;
	_ =	sdelay $0x3  }
0x147: {  	v2 =	vmul.f32 v4, v2  }
0x148: {  	s22 =	sadd.s32 $0xFFFFFFE0, s18;
	v3 =	vmul.f32 v5, v3  }
0x149: {  	s22 =	sor.u32 $0x30, s22;
	[tilespmem:s20+$0x20] =	vst v2  }
0x14a: {  	[tilespmem:s22+$0x500] =	vst v3  }
0x14b: {  	v2 =	vld [tilespmem:s21+$0x5];
	_ =	sdelay $0x3  }
0x14c: {  	v3 =	vld [tilespmem:s19+$0x5]  }
0x14d: {  	(v2sf) =	vpush v2, $0x0;
	_ =	sdelay $0x3  }
0x14e: {  	(v2sf) =	vpush v3, $0x0;
	_ =	sdelay $0xa  }
0x14f: {  	s22 =	spop (v2sf)  }
0x150: {  	s22 =	sand.u32 $0xFFFFF80, s22  }
0x151: {  	s22 =	sadd.s32 s1, s22  }
0x152: {  	[tilespmem:s23], [sflag:$0x6] =	stream.strided.gather [hbm4b:s22+s11], $0x1000, s12, s11, $0x38;
	[tilespmem:$0x14500] =	vst v63  }
0x153: {  	s23 =	spop (v2sf)  }
0x154: {  	s22 =	sand.u32 $0xFFFFF80, s23  }
0x155: {  	s22 =	sadd.s32 s3, s22  }
0x156: {  	[tilespmem:s24], [sflag:$0xE] =	stream.strided.gather [hbm4b:s22+s11], $0x1000, s12, s11, $0x38;
	[tilespmem:$0x14500] =	vst v63  }
0x157: {  	_ =	swait.ge [sflag:s14], $0x1000  }
0x158: {  	[sflag:s14] =	ssyncset.done $0x0  }
0x159: {  	[sflag:s14] =	ssyncadd.s32 $0xFFFFF000  }
0x15a: {  	_ =	swait.ge [sflag:s15], $0x1000  }
0x15b: {  	[sflag:s15] =	ssyncset.done $0x0  }
0x15c: {  	[sflag:s15] =	ssyncadd.s32 $0xFFFFF000  }
0x15d: {  	v2 =	vld [tilespmem:s21+$0xFFFFFFFE];
	_ =	sdelay $0x1  }
0x15e: {  	v3 =	vld [tilespmem:s19+$0xFFFFFFFE];
	_ =	sdelay $0x2  }
0x15f: {  	(v2sf) =	vpush v2, $0x0;
	_ =	sdelay $0x1  }
0x160: {  	(v2sf) =	vpush v3, $0x0;
	_ =	sdelay $0xc  }
0x161: {  	s23 =	spop (v2sf)  }
0x162: {  	s22 =	sand.u32 $0x7F, s23  }
0x163: {  	s24 =	spop (v2sf);
	v2 =	vor.u32 s22, v0  }
0x164: {  	s23 =	sand.u32 $0x7F, s24;
	v3 =	vor.u32 s22, v1  }
0x165: {  	v60 =	vor.u32 s23, v0  }
0x166: {  	v61 =	vor.u32 s23, v1;
	_ =	sdelay $0x1  }
0x167: {  	v2 =	vld.idx.msk [tilespmem:v2+s25+$0x0], $0xffff  }
0x168: {  	v3 =	vld.idx.msk [tilespmem:v3+s25+$0x0], $0xffff  }
0x169: {  	v4 =	vld.idx.msk [tilespmem:v60+s26+$0x0], $0xffff  }
0x16a: {  	v5 =	vld.idx.msk [tilespmem:v61+s26+$0x0], $0xffff;
	_ =	sdelay $0x3  }
0x16b: {  	v2 =	vmul.f32 v4, v2  }
0x16c: {  	v3 =	vmul.f32 v5, v3  }
0x16d: {  	s24 =	sor.u32 $0x50, s18;
	[tilespmem:s20+$0x40] =	vst v2  }
0x16e: {  	[tilespmem:s24+$0x500] =	vst v3  }
0x16f: {  	v2 =	vld [tilespmem:s21+$0x6];
	_ =	sdelay $0x1  }
0x170: {  	v3 =	vld [tilespmem:s19+$0x6];
	_ =	sdelay $0x2  }
0x171: {  	(v2sf) =	vpush v2, $0x0;
	_ =	sdelay $0x1  }
0x172: {  	(v2sf) =	vpush v3, $0x0;
	_ =	sdelay $0xc  }
0x173: {  	s23 =	spop (v2sf)  }
0x174: {  	s22 =	sand.u32 $0xFFFFF80, s23  }
0x175: {  	s24 =	spop (v2sf);
	s22 =	sadd.s32 s1, s22  }
0x176: {  	[tilespmem:s25], [sflag:$0x7] =	stream.strided.gather [hbm4b:s22+s11], $0x1000, s12, s11, $0x38;
	[tilespmem:$0x14500] =	vst v63  }
0x177: {  	s22 =	sand.u32 $0xFFFFF80, s24  }
0x178: {  	s22 =	sadd.s32 s3, s22  }
0x179: {  	[tilespmem:s26], [sflag:$0xF] =	stream.strided.gather [hbm4b:s22+s11], $0x1000, s12, s11, $0x38;
	[tilespmem:$0x14500] =	vst v63  }
0x17a: {  	_ =	swait.ge [sflag:s16], $0x1000  }
0x17b: {  	[sflag:s16] =	ssyncset.done $0x0  }
0x17c: {  	[sflag:s16] =	ssyncadd.s32 $0xFFFFF000  }
0x17d: {  	_ =	swait.ge [sflag:s17], $0x1000  }
0x17e: {  	[sflag:s17] =	ssyncset.done $0x0  }
0x17f: {  	[sflag:s17] =	ssyncadd.s32 $0xFFFFF000  }
0x180: {  	v2 =	vld [tilespmem:s21+$0xFFFFFFFF];
	_ =	sdelay $0x1  }
0x181: {  	v3 =	vld [tilespmem:s19+$0xFFFFFFFF];
	_ =	sdelay $0x2  }
0x182: {  	(v2sf) =	vpush v2, $0x0;
	_ =	sdelay $0x1  }
0x183: {  	(v2sf) =	vpush v3, $0x0;
	_ =	sdelay $0xc  }
0x184: {  	s23 =	spop (v2sf)  }
0x185: {  	s22 =	sand.u32 $0x7F, s23  }
0x186: {  	s24 =	spop (v2sf);
	v2 =	vor.u32 s22, v0  }
0x187: {  	v3 =	vor.u32 s22, v1;
	s24 =	sand.u32 $0x7F, s24  }
0x188: {  	v62 =	vor.u32 s24, v0  }
0x189: {  	v63 =	vor.u32 s24, v1;
	_ =	sdelay $0x1  }
0x18a: {  	v2 =	vld.idx.msk [tilespmem:v2+s28+$0x0], $0xffff  }
0x18b: {  	v3 =	vld.idx.msk [tilespmem:v3+s28+$0x0], $0xffff  }
0x18c: {  	v4 =	vld.idx.msk [tilespmem:v62+s29+$0x0], $0xffff  }
0x18d: {  	v5 =	vld.idx.msk [tilespmem:v63+s29+$0x0], $0xffff;
	_ =	sdelay $0x3  }
0x18e: {  	v2 =	vmul.f32 v4, v2  }
0x18f: {  	v3 =	vmul.f32 v5, v3  }
0x190: {  	[tilespmem:s20+$0x60] =	vst v2  }
0x191: {  	[tilespmem:s20+$0x70] =	vst v3  }
0x192: {  	v2 =	vld [tilespmem:s21+$0x7];
	_ =	sdelay $0x1  }
0x193: {  	v3 =	vld [tilespmem:s19+$0x7];
	_ =	sdelay $0x2  }
0x194: {  	(v2sf) =	vpush v2, $0x0;
	_ =	sdelay $0x1  }
0x195: {  	(v2sf) =	vpush v3, $0x0;
	_ =	sdelay $0xc  }
0x196: {  	s23 =	spop (v2sf)  }
0x197: {  	p0 =	sne.s32 s18, $0x3EC0;
	s22 =	sand.u32 $0xFFFFF80, s23  }
.Ltmp0:
0x198: {  	s24 =	spop (v2sf);
	s22 =	sadd.s32 s1, s22;
	(pc) =	sbr.rel @p0 .LBB2_2-.Ltmp0, $4  }
0x199: {  	[tilespmem:s28], [sflag:$0x8] =	stream.strided.gather [hbm4b:s22+s11], $0x1000, s12, s11, $0x38;
	[tilespmem:$0x14500] =	vst v63  }
0x19a: {  	s18 =	sadd.s32 $0x100, s18;
	s20 =	sadd.s32 $0x100, s20;
	s22 =	sand.u32 $0xFFFFF80, s24  }
0x19b: {  	s19 =	sadd.s32 $0x8, s19;
	s21 =	sadd.s32 $0x8, s21;
	s22 =	sadd.s32 s3, s22  }
0x19c: {  	[tilespmem:s29], [sflag:$0x10] =	stream.strided.gather [hbm4b:s22+s11], $0x1000, s12, s11, $0x38;
	[tilespmem:$0x14500] =	vst v63  }
0x19d: {  	_ =	swait.ge [sflag:s30], $0x1000  }
0x19e: {  	[sflag:s30] =	ssyncset.done $0x0  }
0x19f: {  	[sflag:s30] =	ssyncadd.s32 $0xFFFFF000  }
0x1a0: {  	_ =	swait.ge [sflag:s31], $0x1000  }
0x1a1: {  	[sflag:s31] =	ssyncset.done $0x0  }
0x1a2: {  	[sflag:s31] =	ssyncadd.s32 $0xFFFFF000  }
0x1a3: {  	v2 =	vld [tilespmem:$0x1F8];
	_ =	sdelay $0x1  }
0x1a4: {  	v3 =	vld [tilespmem:$0x478];
	_ =	sdelay $0x2  }
0x1a5: {  	(v2sf) =	vpush v2, $0x0;
	_ =	sdelay $0x1  }
0x1a6: {  	(v2sf) =	vpush v3, $0x0;
	_ =	sdelay $0xc  }
0x1a7: {  	s18 =	spop (v2sf)  }
0x1a8: {  	s18 =	sand.u32 $0x7F, s18  }
0x1a9: {  	s19 =	spop (v2sf);
	v2 =	vor.u32 s18, v0  }
0x1aa: {  	s19 =	sand.u32 $0x7F, s19;
	v3 =	vor.u32 s18, v1  }
0x1ab: {  	v4 =	vor.u32 s19, v0  }
0x1ac: {  	v5 =	vor.u32 s19, v1  }
0x1ad: {  	s19 =	simm.s32 $0x4500  }
0x1ae: {  	v2 =	vld.idx.msk [tilespmem:v2+s19+$0x0], $0xffff  }
0x1af: {  	s20 =	simm.s32 $0xC500;
	v3 =	vld.idx.msk [tilespmem:v3+s19+$0x0], $0xffff  }
0x1b0: {  	v4 =	vld.idx.msk [tilespmem:v4+s20+$0x0], $0xffff  }
0x1b1: {  	v5 =	vld.idx.msk [tilespmem:v5+s20+$0x0], $0xffff;
	_ =	sdelay $0x3  }
0x1b2: {  	v2 =	vmul.f32 v4, v2  }
0x1b3: {  	v3 =	vmul.f32 v5, v3  }
0x1b4: {  	[tilespmem:$0x4400] =	vst v2  }
0x1b5: {  	[tilespmem:$0x4410] =	vst v3  }
0x1b6: {  	_ =	swait.ge [sflag:s0], $0x1000  }
0x1b7: {  	[sflag:s0] =	ssyncset.done $0x0  }
0x1b8: {  	[sflag:s0] =	ssyncadd.s32 $0xFFFFF000  }
0x1b9: {  	_ =	swait.ge [sflag:s2], $0x1000  }
0x1ba: {  	[sflag:s2] =	ssyncset.done $0x0  }
0x1bb: {  	[sflag:s2] =	ssyncadd.s32 $0xFFFFF000  }
0x1bc: {  	v2 =	vld [tilespmem:$0x1F9];
	_ =	sdelay $0x1  }
0x1bd: {  	v3 =	vld [tilespmem:$0x479];
	_ =	sdelay $0x2  }
0x1be: {  	(v2sf) =	vpush v2, $0x0;
	_ =	sdelay $0x1  }
0x1bf: {  	(v2sf) =	vpush v3, $0x0;
	_ =	sdelay $0xc  }
0x1c0: {  	s21 =	spop (v2sf)  }
0x1c1: {  	s18 =	sand.u32 $0x7F, s21  }
0x1c2: {  	s22 =	spop (v2sf);
	v2 =	vor.u32 s18, v0  }
0x1c3: {  	s19 =	sand.u32 $0x7F, s22;
	v3 =	vor.u32 s18, v1  }
0x1c4: {  	v50 =	vor.u32 s19, v0  }
0x1c5: {  	v51 =	vor.u32 s19, v1  }
0x1c6: {  	s23 =	simm.s32 $0x5500  }
0x1c7: {  	v2 =	vld.idx.msk [tilespmem:v2+s23+$0x0], $0xffff  }
0x1c8: {  	s24 =	simm.s32 $0xD500;
	v3 =	vld.idx.msk [tilespmem:v3+s23+$0x0], $0xffff  }
0x1c9: {  	v4 =	vld.idx.msk [tilespmem:v50+s24+$0x0], $0xffff  }
0x1ca: {  	v5 =	vld.idx.msk [tilespmem:v51+s24+$0x0], $0xffff;
	_ =	sdelay $0x3  }
0x1cb: {  	v2 =	vmul.f32 v4, v2  }
0x1cc: {  	v3 =	vmul.f32 v5, v3  }
0x1cd: {  	[tilespmem:$0x4420] =	vst v2  }
0x1ce: {  	[tilespmem:$0x4430] =	vst v3  }
0x1cf: {  	_ =	swait.ge [sflag:s10], $0x1000  }
0x1d0: {  	[sflag:s10] =	ssyncset.done $0x0  }
0x1d1: {  	[sflag:s10] =	ssyncadd.s32 $0xFFFFF000  }
0x1d2: {  	_ =	swait.ge [sflag:s5], $0x1000  }
0x1d3: {  	[sflag:s5] =	ssyncset.done $0x0  }
0x1d4: {  	[sflag:s5] =	ssyncadd.s32 $0xFFFFF000  }
0x1d5: {  	v2 =	vld [tilespmem:$0x1FA];
	_ =	sdelay $0x1  }
0x1d6: {  	v3 =	vld [tilespmem:$0x47A];
	_ =	sdelay $0x2  }
0x1d7: {  	(v2sf) =	vpush v2, $0x0;
	_ =	sdelay $0x1  }
0x1d8: {  	(v2sf) =	vpush v3, $0x0;
	_ =	sdelay $0xc  }
0x1d9: {  	s19 =	spop (v2sf)  }
0x1da: {  	s18 =	sand.u32 $0x7F, s19  }
0x1db: {  	s20 =	spop (v2sf);
	v2 =	vor.u32 s18, v0  }
0x1dc: {  	s19 =	sand.u32 $0x7F, s20;
	v3 =	vor.u32 s18, v1  }
0x1dd: {  	v52 =	vor.u32 s19, v0  }
0x1de: {  	v53 =	vor.u32 s19, v1  }
0x1df: {  	s21 =	simm.s32 $0x6500  }
0x1e0: {  	v2 =	vld.idx.msk [tilespmem:v2+s21+$0x0], $0xffff  }
0x1e1: {  	s22 =	simm.s32 $0xE500;
	v3 =	vld.idx.msk [tilespmem:v3+s21+$0x0], $0xffff  }
0x1e2: {  	v4 =	vld.idx.msk [tilespmem:v52+s22+$0x0], $0xffff  }
0x1e3: {  	v5 =	vld.idx.msk [tilespmem:v53+s22+$0x0], $0xffff;
	_ =	sdelay $0x3  }
0x1e4: {  	v2 =	vmul.f32 v4, v2  }
0x1e5: {  	v3 =	vmul.f32 v5, v3  }
0x1e6: {  	[tilespmem:$0x4440] =	vst v2  }
0x1e7: {  	[tilespmem:$0x4450] =	vst v3  }
0x1e8: {  	_ =	swait.ge [sflag:s6], $0x1000  }
0x1e9: {  	[sflag:s6] =	ssyncset.done $0x0  }
0x1ea: {  	[sflag:s6] =	ssyncadd.s32 $0xFFFFF000  }
0x1eb: {  	_ =	swait.ge [sflag:s7], $0x1000  }
0x1ec: {  	[sflag:s7] =	ssyncset.done $0x0  }
0x1ed: {  	[sflag:s7] =	ssyncadd.s32 $0xFFFFF000  }
0x1ee: {  	v2 =	vld [tilespmem:$0x1FB];
	_ =	sdelay $0x1  }
0x1ef: {  	v3 =	vld [tilespmem:$0x47B];
	_ =	sdelay $0x2  }
0x1f0: {  	(v2sf) =	vpush v2, $0x0;
	_ =	sdelay $0x1  }
0x1f1: {  	(v2sf) =	vpush v3, $0x0;
	_ =	sdelay $0xc  }
0x1f2: {  	s23 =	spop (v2sf)  }
0x1f3: {  	s18 =	sand.u32 $0x7F, s23  }
0x1f4: {  	s24 =	spop (v2sf);
	v2 =	vor.u32 s18, v0  }
0x1f5: {  	s19 =	sand.u32 $0x7F, s24;
	v3 =	vor.u32 s18, v1  }
0x1f6: {  	v54 =	vor.u32 s19, v0  }
0x1f7: {  	v55 =	vor.u32 s19, v1  }
0x1f8: {  	s20 =	simm.s32 $0x7500  }
0x1f9: {  	v2 =	vld.idx.msk [tilespmem:v2+s20+$0x0], $0xffff  }
0x1fa: {  	s21 =	simm.s32 $0xF500;
	v3 =	vld.idx.msk [tilespmem:v3+s20+$0x0], $0xffff  }
0x1fb: {  	v4 =	vld.idx.msk [tilespmem:v54+s21+$0x0], $0xffff  }
0x1fc: {  	v5 =	vld.idx.msk [tilespmem:v55+s21+$0x0], $0xffff;
	_ =	sdelay $0x3  }
0x1fd: {  	v2 =	vmul.f32 v4, v2  }
0x1fe: {  	v3 =	vmul.f32 v5, v3  }
0x1ff: {  	[tilespmem:$0x4460] =	vst v2  }
0x200: {  	[tilespmem:$0x4470] =	vst v3  }
0x201: {  	_ =	swait.ge [sflag:s8], $0x1000  }
0x202: {  	[sflag:s8] =	ssyncset.done $0x0  }
0x203: {  	[sflag:s8] =	ssyncadd.s32 $0xFFFFF000  }
0x204: {  	_ =	swait.ge [sflag:s4], $0x1000  }
0x205: {  	[sflag:s4] =	ssyncset.done $0x0  }
0x206: {  	[sflag:s4] =	ssyncadd.s32 $0xFFFFF000  }
0x207: {  	v2 =	vld [tilespmem:$0x1FC];
	_ =	sdelay $0x1  }
0x208: {  	v3 =	vld [tilespmem:$0x47C];
	_ =	sdelay $0x2  }
0x209: {  	(v2sf) =	vpush v2, $0x0;
	_ =	sdelay $0x1  }
0x20a: {  	(v2sf) =	vpush v3, $0x0;
	_ =	sdelay $0xc  }
0x20b: {  	s22 =	spop (v2sf)  }
0x20c: {  	s18 =	sand.u32 $0x7F, s22  }
0x20d: {  	s23 =	spop (v2sf);
	v2 =	vor.u32 s18, v0  }
0x20e: {  	s19 =	sand.u32 $0x7F, s23;
	v3 =	vor.u32 s18, v1  }
0x20f: {  	v56 =	vor.u32 s19, v0  }
0x210: {  	v57 =	vor.u32 s19, v1  }
0x211: {  	s24 =	simm.s32 $0x8500  }
0x212: {  	v2 =	vld.idx.msk [tilespmem:v2+s24+$0x0], $0xffff  }
0x213: {  	s19 =	simm.s32 $0x10500;
	v3 =	vld.idx.msk [tilespmem:v3+s24+$0x0], $0xffff  }
0x214: {  	v4 =	vld.idx.msk [tilespmem:v56+s19+$0x0], $0xffff  }
0x215: {  	v5 =	vld.idx.msk [tilespmem:v57+s19+$0x0], $0xffff;
	_ =	sdelay $0x3  }
0x216: {  	v2 =	vmul.f32 v4, v2  }
0x217: {  	v3 =	vmul.f32 v5, v3  }
0x218: {  	[tilespmem:$0x4480] =	vst v2  }
0x219: {  	[tilespmem:$0x4490] =	vst v3  }
0x21a: {  	_ =	swait.ge [sflag:s9], $0x1000  }
0x21b: {  	[sflag:s9] =	ssyncset.done $0x0  }
0x21c: {  	[sflag:s9] =	ssyncadd.s32 $0xFFFFF000  }
0x21d: {  	_ =	swait.ge [sflag:s13], $0x1000  }
0x21e: {  	[sflag:s13] =	ssyncset.done $0x0  }
0x21f: {  	[sflag:s13] =	ssyncadd.s32 $0xFFFFF000  }
0x220: {  	v2 =	vld [tilespmem:$0x1FD];
	_ =	sdelay $0x1  }
0x221: {  	v3 =	vld [tilespmem:$0x47D];
	_ =	sdelay $0x2  }
0x222: {  	(v2sf) =	vpush v2, $0x0;
	_ =	sdelay $0x1  }
0x223: {  	(v2sf) =	vpush v3, $0x0;
	_ =	sdelay $0xc  }
0x224: {  	s20 =	spop (v2sf)  }
0x225: {  	s18 =	sand.u32 $0x7F, s20  }
0x226: {  	s21 =	spop (v2sf);
	v2 =	vor.u32 s18, v0  }
0x227: {  	s19 =	sand.u32 $0x7F, s21;
	v3 =	vor.u32 s18, v1  }
0x228: {  	v58 =	vor.u32 s19, v0  }
0x229: {  	v59 =	vor.u32 s19, v1  }
0x22a: {  	s23 =	simm.s32 $0x9500  }
0x22b: {  	v2 =	vld.idx.msk [tilespmem:v2+s23+$0x0], $0xffff  }
0x22c: {  	s19 =	simm.s32 $0x11500;
	v3 =	vld.idx.msk [tilespmem:v3+s23+$0x0], $0xffff  }
0x22d: {  	v4 =	vld.idx.msk [tilespmem:v58+s19+$0x0], $0xffff  }
0x22e: {  	v5 =	vld.idx.msk [tilespmem:v59+s19+$0x0], $0xffff;
	_ =	sdelay $0x3  }
0x22f: {  	v2 =	vmul.f32 v4, v2  }
0x230: {  	v3 =	vmul.f32 v5, v3  }
0x231: {  	[tilespmem:$0x44A0] =	vst v2  }
0x232: {  	[tilespmem:$0x44B0] =	vst v3  }
0x233: {  	_ =	swait.ge [sflag:s14], $0x1000  }
0x234: {  	[sflag:s14] =	ssyncset.done $0x0  }
0x235: {  	[sflag:s14] =	ssyncadd.s32 $0xFFFFF000  }
0x236: {  	_ =	swait.ge [sflag:s15], $0x1000  }
0x237: {  	[sflag:s15] =	ssyncset.done $0x0  }
0x238: {  	[sflag:s15] =	ssyncadd.s32 $0xFFFFF000  }
0x239: {  	v2 =	vld [tilespmem:$0x1FE];
	_ =	sdelay $0x1  }
0x23a: {  	v3 =	vld [tilespmem:$0x47E];
	_ =	sdelay $0x2  }
0x23b: {  	(v2sf) =	vpush v2, $0x0;
	_ =	sdelay $0x1  }
0x23c: {  	(v2sf) =	vpush v3, $0x0;
	_ =	sdelay $0xc  }
0x23d: {  	s20 =	spop (v2sf)  }
0x23e: {  	s18 =	sand.u32 $0x7F, s20  }
0x23f: {  	s21 =	spop (v2sf);
	v2 =	vor.u32 s18, v0  }
0x240: {  	s19 =	sand.u32 $0x7F, s21;
	v3 =	vor.u32 s18, v1  }
0x241: {  	v60 =	vor.u32 s19, v0  }
0x242: {  	v61 =	vor.u32 s19, v1;
	_ =	sdelay $0x1  }
0x243: {  	v2 =	vld.idx.msk [tilespmem:v2+s25+$0x0], $0xffff  }
0x244: {  	v3 =	vld.idx.msk [tilespmem:v3+s25+$0x0], $0xffff  }
0x245: {  	v4 =	vld.idx.msk [tilespmem:v60+s26+$0x0], $0xffff  }
0x246: {  	v5 =	vld.idx.msk [tilespmem:v61+s26+$0x0], $0xffff;
	_ =	sdelay $0x3  }
0x247: {  	v2 =	vmul.f32 v4, v2  }
0x248: {  	v3 =	vmul.f32 v5, v3  }
0x249: {  	[tilespmem:$0x44C0] =	vst v2  }
0x24a: {  	[tilespmem:$0x44D0] =	vst v3  }
0x24b: {  	_ =	swait.ge [sflag:s16], $0x1000  }
0x24c: {  	[sflag:s16] =	ssyncset.done $0x0  }
0x24d: {  	[sflag:s16] =	ssyncadd.s32 $0xFFFFF000  }
0x24e: {  	_ =	swait.ge [sflag:s17], $0x1000  }
0x24f: {  	[sflag:s17] =	ssyncset.done $0x0  }
0x250: {  	[sflag:s17] =	ssyncadd.s32 $0xFFFFF000  }
0x251: {  	v2 =	vld [tilespmem:$0x1FF];
	_ =	sdelay $0x1  }
0x252: {  	v3 =	vld [tilespmem:$0x47F];
	_ =	sdelay $0x2  }
0x253: {  	(v2sf) =	vpush v2, $0x0;
	_ =	sdelay $0x1  }
0x254: {  	(v2sf) =	vpush v3, $0x0;
	_ =	sdelay $0xc  }
0x255: {  	s20 =	spop (v2sf)  }
0x256: {  	s18 =	sand.u32 $0x7F, s20  }
0x257: {  	s21 =	spop (v2sf);
	v2 =	vor.u32 s18, v0  }
0x258: {  	v3 =	vor.u32 s18, v1;
	s20 =	sand.u32 $0x7F, s21  }
0x259: {  	v62 =	vor.u32 s20, v0  }
0x25a: {  	v63 =	vor.u32 s20, v1;
	_ =	sdelay $0x1  }
0x25b: {  	v2 =	vld.idx.msk [tilespmem:v2+s28+$0x0], $0xffff  }
0x25c: {  	v3 =	vld.idx.msk [tilespmem:v3+s28+$0x0], $0xffff  }
0x25d: {  	v4 =	vld.idx.msk [tilespmem:v62+s29+$0x0], $0xffff  }
0x25e: {  	v5 =	vld.idx.msk [tilespmem:v63+s29+$0x0], $0xffff;
	_ =	sdelay $0x3  }
0x25f: {  	v2 =	vmul.f32 v4, v2  }
0x260: {  	v3 =	vmul.f32 v5, v3  }
0x261: {  	[tilespmem:$0x44E0] =	vst v2  }
0x262: {  	s18 =	simm.s32 $0x0;
	s21 =	rddreg [dreg:$0x8];
	s20 =	simm.s32 $0x500;
	[tilespmem:$0x44F0] =	vst v3  }
0x263: {  	[hbm4b:s21+s18] =	stream.linear.scatter [tilespmem:s20], [sflag:$0x11], $0x4000, $0x38;
	[tilespmem:$0x14500] =	vst v63  }
0x264: {  	s20 =	simm.s32 $0x11  }
0x265: {  	_ =	swait.ge [sflag:s20], $0x4000  }
0x266: {  	s21 =	rddreg [dreg:$0xa]  }
0x267: {  	s19 =	rddreg [dreg:$0x9];
	s21 =	sadd.s32 $0x1, s21  }
0x268: {  	p0 =	sne.s32 s21, s19  }
.Ltmp1:
0x269: {  	_ = 	snop;
	(pc) =	sbr.rel @p0 .LBB2_1-.Ltmp1, $3  }
0x26a: {  	_ =	sdelay $0x1  }
0x26b: {  	s22 =	simm.s32 $0x8500;
	[sflag:s20] =	ssyncset.done $0x0  }
0x26c: {  	s24 =	simm.s32 $0x9500;
	s23 =	simm.s32 $0x11500;
	[sflag:s20] =	ssyncadd.s32 $0xFFFFC000  }
0x26d: {  	_ =	sfence.sel $0x180000  }
0x26e: {  	[bflag:$0x0] =	sbarrier.arrive $0xFFFF  }
0x26f: {  	_ =	strace $0x90000047  }
0x270: {  	s0 =	stileid.u32;
	[bflag:$0x2] =	sbarrier.arrive $0xFFFF  }
0x271: {  	p0 =	sne.s32 s0, $0x0;
	s0 =	rddreg [dreg:$0x5]  }
0x272: {  	s0 =	sadd.s32 @!p0 $0x100000, s0  }
0x273: {  	[sflag:s0] =	ssyncadd.tile.s32 @!p0 $0x1;
	_ =	shalt  }
.Lfunc_end2:
_tile_overlayer_lowered:
.L_overlay_start_2:
0x274: {  	(tag) =	ssettag $0x2  }
0x275: {  	s0 =	rddreg [dreg:$0x0];
	s2 =	stileid.u32  }
0x276: {  	s1 =	rddreg [dreg:$0x1];
	p0 =	sne.s32 s2, $0x0  }
0x277: {  	s3 =	rddreg [dreg:$0x2];
	[bflag:$0x3] =	sbarrier.arrive $0xFFFF;
	s2 =	simm.s32 @!p0 $0x1C11  }
0x278: {  	[timem:s3], [sflag:s2] =	dma.local @!p0 [hbm:s0], s1  }
0x279: {  	s0 =	simm.s32 @!p0 $0x11  }
0x27a: {  	_ =	swait.ge @!p0 [sflag:s0], s1  }
0x27b: {  	s1 =	ssub.s32 @!p0 $0x0, s1;
	[sflag:s0] =	ssyncset.done @!p0 $0x0  }
0x27c: {  	[sflag:s0] =	ssyncadd.s32 @!p0 s1  }
0x27d: {  	[bflag:$0x3] =	sbarrier.arrive $0xFFFF  }
0x27e: {  	_ =	shalt  }

</sc_bundles>
